<compile_context>
chip_gen: v7x
topology: tpu7x:2x2x1
jax: 0.10.2.dev20260603
libtpu: 0.0.44.dev20260713+nightly
codegen_flags: <defaults>
</compile_context>

<pallas_src>
import functools

import jax
import jax.numpy as jnp
from jax import lax
from jax.experimental import pallas as pl
from jax.experimental.pallas import tpu as pltpu
from jax.experimental.pallas import tpu_sc as plsc

PAIR = 28
D = 128
B = 4096
NEG = 20
EMB = 100000

NC = 2
NS = 16
NW = NC * NS
BPW = B // NW
NEG_PW = BPW * NEG
GROUP = 128
NGRP = NEG_PW // GROUP

_mesh = plsc.VectorSubcoreMesh(core_axis_name="c", subcore_axis_name="s")


@functools.partial(
    pl.kernel,
    mesh=_mesh,
    compiler_params=pltpu.CompilerParams(needs_layout_passes=False),
    out_type=[
        jax.ShapeDtypeStruct((NW, BPW, 16), jnp.float32),
        jax.ShapeDtypeStruct((NW, NGRP, GROUP, 16), jnp.float32),
    ],
    scratch_types=[
        pltpu.VMEM((BPW,), jnp.int32),
        pltpu.VMEM((BPW,), jnp.int32),
        pltpu.VMEM((NGRP, GROUP), jnp.int32),
        pltpu.VMEM((BPW, D), jnp.float32),
        pltpu.VMEM((GROUP, D), jnp.float32),
        pltpu.VMEM((GROUP, 16), jnp.float32),
        pltpu.SemaphoreType.DMA,
    ],
)
def _sc_dots(posu_hbm, posv_hbm, negv_hbm, u_hbm, v_hbm,
             pos_out, neg_out,
             posu_v, posv_v, negv_v, urows_v, rows_v, part_v, sem):
    wid = lax.axis_index("s") * NC + lax.axis_index("c")

    pltpu.sync_copy(posu_hbm.at[wid], posu_v)
    pltpu.sync_copy(posv_hbm.at[wid], posv_v)
    pltpu.sync_copy(negv_hbm.at[wid], negv_v)
    pltpu.async_copy(u_hbm.at[posu_v], urows_v, sem).wait()

    lanes = lax.iota(jnp.int32, 16)
    cols = [lanes + 16 * j for j in range(8)]

    def row_dot(u_row_vec, row_i_vec):
        acc = None
        for j in range(8):
            u_j = plsc.load_gather(urows_v, [u_row_vec, cols[j]])
            r_j = plsc.load_gather(rows_v, [row_i_vec, cols[j]])
            acc = u_j * r_j if acc is None else acc + u_j * r_j
        return acc

    pltpu.async_copy(v_hbm.at[posv_v], rows_v, sem).wait()

    def pos_body(i, _):
        iv = jnp.full((16,), i, dtype=jnp.int32)
        acc = row_dot(iv, iv)
        plsc.store_scatter(part_v, [iv, lanes], acc)
        return _

    lax.fori_loop(0, GROUP, pos_body, 0)
    pltpu.sync_copy(part_v, pos_out.at[wid])

    def neg_group(g, _):
        pltpu.async_copy(v_hbm.at[negv_v.at[g]], rows_v, sem).wait()

        def neg_body(i, _c):
            iv = jnp.full((16,), i, dtype=jnp.int32)
            bv = jnp.full((16,), lax.div(g * GROUP + i, NEG), dtype=jnp.int32)
            acc = row_dot(bv, iv)
            plsc.store_scatter(part_v, [iv, lanes], acc)
            return _c

        lax.fori_loop(0, GROUP, neg_body, 0)
        pltpu.sync_copy(part_v, neg_out.at[wid, g])
        return _

    lax.fori_loop(0, NGRP, neg_group, 0)


def _tc_reduce_body(neg_ref, pos_ref, out_ref):
    r = lax.broadcasted_iota(jnp.int32, (D, 8), 0) // 16
    c = lax.broadcasted_iota(jnp.int32, (D, 8), 1)
    m = (r == c).astype(jnp.float32)

    def lsig(x):
        return jnp.minimum(x, 0.0) - jnp.log1p(jnp.exp(-jnp.abs(x)))

    neg_s = jnp.dot(neg_ref[...], m, preferred_element_type=jnp.float32)
    pos_s = jnp.dot(pos_ref[...], m, preferred_element_type=jnp.float32)
    out_ref[0, 0] = -(jnp.sum(lsig(pos_s)) + jnp.sum(lsig(-neg_s)))


_tc_reduce = pl.pallas_call(
    _tc_reduce_body,
    out_shape=jax.ShapeDtypeStruct((1, 1), jnp.float32),
    out_specs=pl.BlockSpec(memory_space=pltpu.SMEM),
)


def kernel(pos_u, pos_v, neg_v, u_weight, v_weight):
    pos_u = pos_u.astype(jnp.int32)
    pos_v = pos_v.astype(jnp.int32)
    neg_v = neg_v.astype(jnp.int32)

    posu_w = pos_u.reshape(NW, BPW)
    posv_w = pos_v.reshape(NW, BPW)
    negv_w = neg_v.reshape(NW, NGRP, GROUP)

    pos_part, neg_part = _sc_dots(posu_w, posv_w, negv_w, u_weight, v_weight)

    neg2 = neg_part.reshape(NW * NGRP * GROUP * 16 // D, D)
    pos2 = pos_part.reshape(NW * BPW * 16 // D, D)
    loss = _tc_reduce(neg2, pos2)
    return loss[0, 0]

# --- scband reference (transcript-rebuilt; emitter-appended) ---
"""Pipeline reference for scband-skip-gram-model-77163382440300 (READ-ONLY COPY).

The authoritative reference and input builder live on the scoring server;
editing this copy changes nothing except your own understanding.
"""

import jax, jax.numpy as jnp
import numpy as np

PAIR_EMB_SIZE = 28
EMB_SIZE = 100000
EMB_DIM = PAIR_EMB_SIZE + 100  # 128, as computed inside __init__
B = 4096
NEG = 20


def setup_inputs(seed: int = 0) -> dict:
    key = jax.random.key(seed)
    k1, k2, k3, k4 = jax.random.split(key, 4)
    pos_u = jax.random.randint(k1, (B,), 0, PAIR_EMB_SIZE)
    pos_v = jax.random.randint(k2, (B,), 0, EMB_SIZE)
    neg_v = jax.random.randint(k3, (B, NEG), 0, EMB_SIZE)
    initrange = 0.5 / EMB_DIM
    u_weight = jax.random.uniform(k4, (PAIR_EMB_SIZE, EMB_DIM), minval=-initrange, maxval=initrange, dtype=jnp.float32)
    # Faithful to init_emb(): v_embeddings initialized to zeros
    v_weight = jnp.zeros((EMB_SIZE, EMB_DIM), dtype=jnp.float32)
    return {"pos_u": pos_u, "pos_v": pos_v, "neg_v": neg_v, "u_weight": u_weight, "v_weight": v_weight}


def reference(pos_u, pos_v, neg_v, u_weight, v_weight):
    emb_u = jnp.take(u_weight, pos_u, axis=0)            # [B, D]
    emb_v = jnp.take(v_weight, pos_v, axis=0)            # [B, D]
    neg_emb_v = jnp.take(v_weight, neg_v, axis=0)        # [B, NEG, D]
    score = jnp.sum(emb_u * emb_v, axis=1)               # [B]
    score = jax.nn.log_sigmoid(score)
    # torch.bmm(neg_emb_v, emb_u.unsqueeze(2)).squeeze() -> [B, NEG]
    neg_score = jnp.einsum('bkd,bd->bk', neg_emb_v, emb_u)
    neg_score = jax.nn.log_sigmoid(-1.0 * neg_score)
    return -1.0 * (jnp.sum(score) + jnp.sum(neg_score))

if __name__ == "__main__":
    import jax
    _d = setup_inputs()
    print(jax.jit(kernel)(*tuple(_d.values())))

</pallas_src>

<mosaic_0001>
#map = affine_map<(d0, d1) -> (0, 0)>
#map1 = affine_map<(d0, d1) -> (0, 0, 0)>
#map2 = affine_map<(d0, d1) -> (0, 0, 0, 0)>
module attributes {stable_mosaic.version = 14 : i64} {
  func.func @_sc_dots(%arg0: i32, %arg1: i32, %arg2: memref<32x128xi32, #tpu.memory_space<hbm>>, %arg3: memref<32x128xi32, #tpu.memory_space<hbm>>, %arg4: memref<32x20x128xi32, #tpu.memory_space<hbm>>, %arg5: memref<28x128xf32, #tpu.memory_space<hbm>>, %arg6: memref<100000x128xf32, #tpu.memory_space<hbm>>, %arg7: memref<32x128x16xf32, #tpu.memory_space<hbm>>, %arg8: memref<32x20x128x16xf32, #tpu.memory_space<hbm>>, %arg9: memref<128xi32, #tpu.memory_space<vmem>>, %arg10: memref<128xi32, #tpu.memory_space<vmem>>, %arg11: memref<20x128xi32, #tpu.memory_space<vmem>>, %arg12: memref<128x128xf32, #tpu.memory_space<vmem>>, %arg13: memref<128x128xf32, #tpu.memory_space<vmem>>, %arg14: memref<128x16xf32, #tpu.memory_space<vmem>>, %arg15: memref<!tpu.dma_semaphore, #tpu.memory_space<semaphore_mem>>) attributes {dimension_semantics = [#tpu.dimension_semantics<core_parallel>, #tpu.dimension_semantics<subcore_parallel>], iteration_bounds = array<i64: 2, 16>, scalar_prefetch = 0 : i64, scratch_operands = 7 : i64, tpu.core_type = #tpu.core_type<sc_vector_subcore>, window_params = [{transform_indices = #map}, {transform_indices = #map}, {transform_indices = #map1}, {transform_indices = #map}, {transform_indices = #map}, {transform_indices = #map1}, {transform_indices = #map2}]} {
    %mul3A = arith.constant 2 : i32
    %mul3A_0 = arith.muli %arg1, %mul3A : i32
    %add3A = arith.addi %mul3A_0, %arg0 : i32
    "tpu.region"() ({
      %run_scoped3A = tpu.sem_alloc : memref<!tpu.dma_semaphore, #tpu.memory_space<semaphore_mem>>
      %dma_start3A_46 = arith.constant 0 : i32
      %dma_start3A_47 = tpu.memref_slice %arg2[%add3A, %dma_start3A_46] : memref<32x128xi32, #tpu.memory_space<hbm>> -> memref<1x128xi32, #tpu.memory_space<hbm>>
      %dma_start3A_48 = tpu.memref_squeeze %dma_start3A_47 : memref<1x128xi32, #tpu.memory_space<hbm>> -> memref<128xi32, #tpu.memory_space<hbm>>
      %dma_start3A_49 = arith.constant 0 : i32
      %dma_start3A_50 = tpu.memref_slice %arg2[%add3A, %dma_start3A_49] : memref<32x128xi32, #tpu.memory_space<hbm>> -> memref<1x128xi32, #tpu.memory_space<hbm>>
      %dma_start3A_51 = tpu.memref_squeeze %dma_start3A_50 : memref<1x128xi32, #tpu.memory_space<hbm>> -> memref<128xi32, #tpu.memory_space<hbm>>
      tpu.enqueue_dma source(%dma_start3A_51 : memref<128xi32, #tpu.memory_space<hbm>>) target(%arg9 : memref<128xi32, #tpu.memory_space<vmem>>) target_semaphore(%run_scoped3A : memref<!tpu.dma_semaphore, #tpu.memory_space<semaphore_mem>>)
      %dma_wait3A_52 = arith.constant 0 : i32
      %dma_wait3A_53 = tpu.memref_slice %arg2[%add3A, %dma_wait3A_52] : memref<32x128xi32, #tpu.memory_space<hbm>> -> memref<1x128xi32, #tpu.memory_space<hbm>>
      %dma_wait3A_54 = tpu.memref_squeeze %dma_wait3A_53 : memref<1x128xi32, #tpu.memory_space<hbm>> -> memref<128xi32, #tpu.memory_space<hbm>>
      %dma_wait3A_55 = arith.constant 0 : i32
      %dma_wait3A_56 = tpu.memref_slice %arg2[%add3A, %dma_wait3A_55] : memref<32x128xi32, #tpu.memory_space<hbm>> -> memref<1x128xi32, #tpu.memory_space<hbm>>
      %dma_wait3A_57 = tpu.memref_squeeze %dma_wait3A_56 : memref<1x128xi32, #tpu.memory_space<hbm>> -> memref<128xi32, #tpu.memory_space<hbm>>
      tpu.wait_dma2 semaphore(%run_scoped3A : memref<!tpu.dma_semaphore, #tpu.memory_space<semaphore_mem>>) src(%dma_wait3A_57 : memref<128xi32, #tpu.memory_space<hbm>>) dst(%arg9 : memref<128xi32, #tpu.memory_space<vmem>>)
      tpu.yield
    }) : () -> ()
    "tpu.region"() ({
      %run_scoped3A = tpu.sem_alloc : memref<!tpu.dma_semaphore, #tpu.memory_space<semaphore_mem>>
      %dma_start3A_46 = arith.constant 0 : i32
      %dma_start3A_47 = tpu.memref_slice %arg3[%add3A, %dma_start3A_46] : memref<32x128xi32, #tpu.memory_space<hbm>> -> memref<1x128xi32, #tpu.memory_space<hbm>>
      %dma_start3A_48 = tpu.memref_squeeze %dma_start3A_47 : memref<1x128xi32, #tpu.memory_space<hbm>> -> memref<128xi32, #tpu.memory_space<hbm>>
      %dma_start3A_49 = arith.constant 0 : i32
      %dma_start3A_50 = tpu.memref_slice %arg3[%add3A, %dma_start3A_49] : memref<32x128xi32, #tpu.memory_space<hbm>> -> memref<1x128xi32, #tpu.memory_space<hbm>>
      %dma_start3A_51 = tpu.memref_squeeze %dma_start3A_50 : memref<1x128xi32, #tpu.memory_space<hbm>> -> memref<128xi32, #tpu.memory_space<hbm>>
      tpu.enqueue_dma source(%dma_start3A_51 : memref<128xi32, #tpu.memory_space<hbm>>) target(%arg10 : memref<128xi32, #tpu.memory_space<vmem>>) target_semaphore(%run_scoped3A : memref<!tpu.dma_semaphore, #tpu.memory_space<semaphore_mem>>)
      %dma_wait3A_52 = arith.constant 0 : i32
      %dma_wait3A_53 = tpu.memref_slice %arg3[%add3A, %dma_wait3A_52] : memref<32x128xi32, #tpu.memory_space<hbm>> -> memref<1x128xi32, #tpu.memory_space<hbm>>
      %dma_wait3A_54 = tpu.memref_squeeze %dma_wait3A_53 : memref<1x128xi32, #tpu.memory_space<hbm>> -> memref<128xi32, #tpu.memory_space<hbm>>
      %dma_wait3A_55 = arith.constant 0 : i32
      %dma_wait3A_56 = tpu.memref_slice %arg3[%add3A, %dma_wait3A_55] : memref<32x128xi32, #tpu.memory_space<hbm>> -> memref<1x128xi32, #tpu.memory_space<hbm>>
      %dma_wait3A_57 = tpu.memref_squeeze %dma_wait3A_56 : memref<1x128xi32, #tpu.memory_space<hbm>> -> memref<128xi32, #tpu.memory_space<hbm>>
      tpu.wait_dma2 semaphore(%run_scoped3A : memref<!tpu.dma_semaphore, #tpu.memory_space<semaphore_mem>>) src(%dma_wait3A_57 : memref<128xi32, #tpu.memory_space<hbm>>) dst(%arg10 : memref<128xi32, #tpu.memory_space<vmem>>)
      tpu.yield
    }) : () -> ()
    "tpu.region"() ({
      %run_scoped3A = tpu.sem_alloc : memref<!tpu.dma_semaphore, #tpu.memory_space<semaphore_mem>>
      %dma_start3A_46 = arith.constant 0 : i32
      %dma_start3A_47 = arith.constant 0 : i32
      %dma_start3A_48 = tpu.memref_slice %arg4[%add3A, %dma_start3A_46, %dma_start3A_47] : memref<32x20x128xi32, #tpu.memory_space<hbm>> -> memref<1x20x128xi32, #tpu.memory_space<hbm>>
      %dma_start3A_49 = tpu.memref_squeeze %dma_start3A_48 : memref<1x20x128xi32, #tpu.memory_space<hbm>> -> memref<20x128xi32, #tpu.memory_space<hbm>>
      %dma_start3A_50 = arith.constant 0 : i32
      %dma_start3A_51 = arith.constant 0 : i32
      %dma_start3A_52 = tpu.memref_slice %arg4[%add3A, %dma_start3A_50, %dma_start3A_51] : memref<32x20x128xi32, #tpu.memory_space<hbm>> -> memref<1x20x128xi32, #tpu.memory_space<hbm>>
      %dma_start3A_53 = tpu.memref_squeeze %dma_start3A_52 : memref<1x20x128xi32, #tpu.memory_space<hbm>> -> memref<20x128xi32, #tpu.memory_space<hbm>>
      tpu.enqueue_dma source(%dma_start3A_53 : memref<20x128xi32, #tpu.memory_space<hbm>>) target(%arg11 : memref<20x128xi32, #tpu.memory_space<vmem>>) target_semaphore(%run_scoped3A : memref<!tpu.dma_semaphore, #tpu.memory_space<semaphore_mem>>)
      %dma_wait3A_54 = arith.constant 0 : i32
      %dma_wait3A_55 = arith.constant 0 : i32
      %dma_wait3A_56 = tpu.memref_slice %arg4[%add3A, %dma_wait3A_54, %dma_wait3A_55] : memref<32x20x128xi32, #tpu.memory_space<hbm>> -> memref<1x20x128xi32, #tpu.memory_space<hbm>>
      %dma_wait3A_57 = tpu.memref_squeeze %dma_wait3A_56 : memref<1x20x128xi32, #tpu.memory_space<hbm>> -> memref<20x128xi32, #tpu.memory_space<hbm>>
      %dma_wait3A_58 = arith.constant 0 : i32
      %dma_wait3A_59 = arith.constant 0 : i32
      %dma_wait3A_60 = tpu.memref_slice %arg4[%add3A, %dma_wait3A_58, %dma_wait3A_59] : memref<32x20x128xi32, #tpu.memory_space<hbm>> -> memref<1x20x128xi32, #tpu.memory_space<hbm>>
      %dma_wait3A_61 = tpu.memref_squeeze %dma_wait3A_60 : memref<1x20x128xi32, #tpu.memory_space<hbm>> -> memref<20x128xi32, #tpu.memory_space<hbm>>
      tpu.wait_dma2 semaphore(%run_scoped3A : memref<!tpu.dma_semaphore, #tpu.memory_space<semaphore_mem>>) src(%dma_wait3A_61 : memref<20x128xi32, #tpu.memory_space<hbm>>) dst(%arg11 : memref<20x128xi32, #tpu.memory_space<vmem>>)
      tpu.yield
    }) : () -> ()
    %dma_start3A = arith.constant 0 : i32
    %dma_start3A_1 = arith.constant 0 : i32
    %dma_start3A_2 = tpu.memref_slice %arg5[%dma_start3A, %dma_start3A_1] : memref<28x128xf32, #tpu.memory_space<hbm>> -> memref<28x128xf32, #tpu.memory_space<hbm>>
    tpu.enqueue_indirect_dma source(%dma_start3A_2 : memref<28x128xf32, #tpu.memory_space<hbm>>) target(%arg12 : memref<128x128xf32, #tpu.memory_space<vmem>>) offsets(%arg9 : memref<128xi32, #tpu.memory_space<vmem>>) semaphore(%arg15 : memref<!tpu.dma_semaphore, #tpu.memory_space<semaphore_mem>>)
    %dma_wait3A = arith.constant 0 : i32
    %dma_wait3A_3 = arith.constant 0 : i32
    %dma_wait3A_4 = tpu.memref_slice %arg5[%dma_wait3A, %dma_wait3A_3] : memref<28x128xf32, #tpu.memory_space<hbm>> -> memref<28x128xf32, #tpu.memory_space<hbm>>
    tpu.wait_indirect_dma semaphore(%arg15 : memref<!tpu.dma_semaphore, #tpu.memory_space<semaphore_mem>>) src(%dma_wait3A_4 : memref<28x128xf32, #tpu.memory_space<hbm>>) dst(%arg12 : memref<128x128xf32, #tpu.memory_space<vmem>>)
    %iota3A = tpu.iota {dimensions = array<i32: 0>} : vector<16xi32>
    %add3A_5 = arith.constant 0 : i32
    %add3A_6 = vector.broadcast %add3A_5 : i32 to vector<16xi32>
    %add3A_7 = arith.addi %iota3A, %add3A_6 : vector<16xi32>
    %add3A_8 = arith.constant 16 : i32
    %add3A_9 = vector.broadcast %add3A_8 : i32 to vector<16xi32>
    %add3A_10 = arith.addi %iota3A, %add3A_9 : vector<16xi32>
    %add3A_11 = arith.constant 32 : i32
    %add3A_12 = vector.broadcast %add3A_11 : i32 to vector<16xi32>
    %add3A_13 = arith.addi %iota3A, %add3A_12 : vector<16xi32>
    %add3A_14 = arith.constant 48 : i32
    %add3A_15 = vector.broadcast %add3A_14 : i32 to vector<16xi32>
    %add3A_16 = arith.addi %iota3A, %add3A_15 : vector<16xi32>
    %add3A_17 = arith.constant 64 : i32
    %add3A_18 = vector.broadcast %add3A_17 : i32 to vector<16xi32>
    %add3A_19 = arith.addi %iota3A, %add3A_18 : vector<16xi32>
    %add3A_20 = arith.constant 80 : i32
    %add3A_21 = vector.broadcast %add3A_20 : i32 to vector<16xi32>
    %add3A_22 = arith.addi %iota3A, %add3A_21 : vector<16xi32>
    %add3A_23 = arith.constant 96 : i32
    %add3A_24 = vector.broadcast %add3A_23 : i32 to vector<16xi32>
    %add3A_25 = arith.addi %iota3A, %add3A_24 : vector<16xi32>
    %add3A_26 = arith.constant 112 : i32
    %add3A_27 = vector.broadcast %add3A_26 : i32 to vector<16xi32>
    %add3A_28 = arith.addi %iota3A, %add3A_27 : vector<16xi32>
    %dma_start3A_29 = arith.constant 0 : i32
    %dma_start3A_30 = arith.constant 0 : i32
    %dma_start3A_31 = tpu.memref_slice %arg6[%dma_start3A_29, %dma_start3A_30] : memref<100000x128xf32, #tpu.memory_space<hbm>> -> memref<100000x128xf32, #tpu.memory_space<hbm>>
    tpu.enqueue_indirect_dma source(%dma_start3A_31 : memref<100000x128xf32, #tpu.memory_space<hbm>>) target(%arg13 : memref<128x128xf32, #tpu.memory_space<vmem>>) offsets(%arg10 : memref<128xi32, #tpu.memory_space<vmem>>) semaphore(%arg15 : memref<!tpu.dma_semaphore, #tpu.memory_space<semaphore_mem>>)
    %dma_wait3A_32 = arith.constant 0 : i32
    %dma_wait3A_33 = arith.constant 0 : i32
    %dma_wait3A_34 = tpu.memref_slice %arg6[%dma_wait3A_32, %dma_wait3A_33] : memref<100000x128xf32, #tpu.memory_space<hbm>> -> memref<100000x128xf32, #tpu.memory_space<hbm>>
    tpu.wait_indirect_dma semaphore(%arg15 : memref<!tpu.dma_semaphore, #tpu.memory_space<semaphore_mem>>) src(%dma_wait3A_34 : memref<100000x128xf32, #tpu.memory_space<hbm>>) dst(%arg13 : memref<128x128xf32, #tpu.memory_space<vmem>>)
    %scan3A = arith.constant 0 : i32
    %scan3A_35 = arith.constant 0 : i32
    %scan3A_36 = arith.constant 128 : i32
    %scan3A_37 = arith.addi %scan3A_35, %scan3A_36 : i32
    %scan3A_38 = arith.constant 1 : i32
    scf.for %scan3A_46 = %scan3A_35 to %scan3A_37 step %scan3A_38  : i32 {
      %broadcast_in_dim3A = vector.broadcast %scan3A_46 : i32 to vector<16xi32>
      %gather3A = tpu.vector_load_idx %arg12[%broadcast_in_dim3A, %add3A_7] : memref<128x128xf32, #tpu.memory_space<vmem>>[vector<16xi32>, vector<16xi32>], vector<16xf32>,
      %gather3A_47 = tpu.vector_load_idx %arg13[%broadcast_in_dim3A, %add3A_7] : memref<128x128xf32, #tpu.memory_space<vmem>>[vector<16xi32>, vector<16xi32>], vector<16xf32>,
      %mul3A_48 = arith.mulf %gather3A, %gather3A_47 : vector<16xf32>
      %gather3A_49 = tpu.vector_load_idx %arg12[%broadcast_in_dim3A, %add3A_10] : memref<128x128xf32, #tpu.memory_space<vmem>>[vector<16xi32>, vector<16xi32>], vector<16xf32>,
      %gather3A_50 = tpu.vector_load_idx %arg13[%broadcast_in_dim3A, %add3A_10] : memref<128x128xf32, #tpu.memory_space<vmem>>[vector<16xi32>, vector<16xi32>], vector<16xf32>,
      %mul3A_51 = arith.mulf %gather3A_49, %gather3A_50 : vector<16xf32>
      %add3A_52 = arith.addf %mul3A_48, %mul3A_51 : vector<16xf32>
      %gather3A_53 = tpu.vector_load_idx %arg12[%broadcast_in_dim3A, %add3A_13] : memref<128x128xf32, #tpu.memory_space<vmem>>[vector<16xi32>, vector<16xi32>], vector<16xf32>,
      %gather3A_54 = tpu.vector_load_idx %arg13[%broadcast_in_dim3A, %add3A_13] : memref<128x128xf32, #tpu.memory_space<vmem>>[vector<16xi32>, vector<16xi32>], vector<16xf32>,
      %mul3A_55 = arith.mulf %gather3A_53, %gather3A_54 : vector<16xf32>
      %add3A_56 = arith.addf %add3A_52, %mul3A_55 : vector<16xf32>
      %gather3A_57 = tpu.vector_load_idx %arg12[%broadcast_in_dim3A, %add3A_16] : memref<128x128xf32, #tpu.memory_space<vmem>>[vector<16xi32>, vector<16xi32>], vector<16xf32>,
      %gather3A_58 = tpu.vector_load_idx %arg13[%broadcast_in_dim3A, %add3A_16] : memref<128x128xf32, #tpu.memory_space<vmem>>[vector<16xi32>, vector<16xi32>], vector<16xf32>,
      %mul3A_59 = arith.mulf %gather3A_57, %gather3A_58 : vector<16xf32>
      %add3A_60 = arith.addf %add3A_56, %mul3A_59 : vector<16xf32>
      %gather3A_61 = tpu.vector_load_idx %arg12[%broadcast_in_dim3A, %add3A_19] : memref<128x128xf32, #tpu.memory_space<vmem>>[vector<16xi32>, vector<16xi32>], vector<16xf32>,
      %gather3A_62 = tpu.vector_load_idx %arg13[%broadcast_in_dim3A, %add3A_19] : memref<128x128xf32, #tpu.memory_space<vmem>>[vector<16xi32>, vector<16xi32>], vector<16xf32>,
      %mul3A_63 = arith.mulf %gather3A_61, %gather3A_62 : vector<16xf32>
      %add3A_64 = arith.addf %add3A_60, %mul3A_63 : vector<16xf32>
      %gather3A_65 = tpu.vector_load_idx %arg12[%broadcast_in_dim3A, %add3A_22] : memref<128x128xf32, #tpu.memory_space<vmem>>[vector<16xi32>, vector<16xi32>], vector<16xf32>,
      %gather3A_66 = tpu.vector_load_idx %arg13[%broadcast_in_dim3A, %add3A_22] : memref<128x128xf32, #tpu.memory_space<vmem>>[vector<16xi32>, vector<16xi32>], vector<16xf32>,
      %mul3A_67 = arith.mulf %gather3A_65, %gather3A_66 : vector<16xf32>
      %add3A_68 = arith.addf %add3A_64, %mul3A_67 : vector<16xf32>
      %gather3A_69 = tpu.vector_load_idx %arg12[%broadcast_in_dim3A, %add3A_25] : memref<128x128xf32, #tpu.memory_space<vmem>>[vector<16xi32>, vector<16xi32>], vector<16xf32>,
      %gather3A_70 = tpu.vector_load_idx %arg13[%broadcast_in_dim3A, %add3A_25] : memref<128x128xf32, #tpu.memory_space<vmem>>[vector<16xi32>, vector<16xi32>], vector<16xf32>,
      %mul3A_71 = arith.mulf %gather3A_69, %gather3A_70 : vector<16xf32>
      %add3A_72 = arith.addf %add3A_68, %mul3A_71 : vector<16xf32>
      %gather3A_73 = tpu.vector_load_idx %arg12[%broadcast_in_dim3A, %add3A_28] : memref<128x128xf32, #tpu.memory_space<vmem>>[vector<16xi32>, vector<16xi32>], vector<16xf32>,
      %gather3A_74 = tpu.vector_load_idx %arg13[%broadcast_in_dim3A, %add3A_28] : memref<128x128xf32, #tpu.memory_space<vmem>>[vector<16xi32>, vector<16xi32>], vector<16xf32>,
      %mul3A_75 = arith.mulf %gather3A_73, %gather3A_74 : vector<16xf32>
      %add3A_76 = arith.addf %add3A_72, %mul3A_75 : vector<16xf32>
      tpu.vector_store_idx %arg14[%broadcast_in_dim3A, %iota3A], %add3A_76 : memref<128x16xf32, #tpu.memory_space<vmem>>[vector<16xi32>, vector<16xi32>], vector<16xf32>,
    }
    %scan3A_39 = arith.constant 128 : i32
    "tpu.region"() ({
      %run_scoped3A = tpu.sem_alloc : memref<!tpu.dma_semaphore, #tpu.memory_space<semaphore_mem>>
      %dma_start3A_46 = arith.constant 0 : i32
      %dma_start3A_47 = arith.constant 0 : i32
      %dma_start3A_48 = tpu.memref_slice %arg7[%add3A, %dma_start3A_46, %dma_start3A_47] : memref<32x128x16xf32, #tpu.memory_space<hbm>> -> memref<1x128x16xf32, #tpu.memory_space<hbm>>
      %dma_start3A_49 = tpu.memref_squeeze %dma_start3A_48 : memref<1x128x16xf32, #tpu.memory_space<hbm>> -> memref<128x16xf32, #tpu.memory_space<hbm>>
      %dma_start3A_50 = arith.constant 0 : i32
      %dma_start3A_51 = arith.constant 0 : i32
      %dma_start3A_52 = tpu.memref_slice %arg7[%add3A, %dma_start3A_50, %dma_start3A_51] : memref<32x128x16xf32, #tpu.memory_space<hbm>> -> memref<1x128x16xf32, #tpu.memory_space<hbm>>
      %dma_start3A_53 = tpu.memref_squeeze %dma_start3A_52 : memref<1x128x16xf32, #tpu.memory_space<hbm>> -> memref<128x16xf32, #tpu.memory_space<hbm>>
      tpu.enqueue_dma source(%arg14 : memref<128x16xf32, #tpu.memory_space<vmem>>) target(%dma_start3A_53 : memref<128x16xf32, #tpu.memory_space<hbm>>) target_semaphore(%run_scoped3A : memref<!tpu.dma_semaphore, #tpu.memory_space<semaphore_mem>>)
      %dma_wait3A_54 = arith.constant 0 : i32
      %dma_wait3A_55 = arith.constant 0 : i32
      %dma_wait3A_56 = tpu.memref_slice %arg7[%add3A, %dma_wait3A_54, %dma_wait3A_55] : memref<32x128x16xf32, #tpu.memory_space<hbm>> -> memref<1x128x16xf32, #tpu.memory_space<hbm>>
      %dma_wait3A_57 = tpu.memref_squeeze %dma_wait3A_56 : memref<1x128x16xf32, #tpu.memory_space<hbm>> -> memref<128x16xf32, #tpu.memory_space<hbm>>
      %dma_wait3A_58 = arith.constant 0 : i32
      %dma_wait3A_59 = arith.constant 0 : i32
      %dma_wait3A_60 = tpu.memref_slice %arg7[%add3A, %dma_wait3A_58, %dma_wait3A_59] : memref<32x128x16xf32, #tpu.memory_space<hbm>> -> memref<1x128x16xf32, #tpu.memory_space<hbm>>
      %dma_wait3A_61 = tpu.memref_squeeze %dma_wait3A_60 : memref<1x128x16xf32, #tpu.memory_space<hbm>> -> memref<128x16xf32, #tpu.memory_space<hbm>>
      tpu.wait_dma2 semaphore(%run_scoped3A : memref<!tpu.dma_semaphore, #tpu.memory_space<semaphore_mem>>) src(%arg14 : memref<128x16xf32, #tpu.memory_space<vmem>>) dst(%dma_wait3A_61 : memref<128x16xf32, #tpu.memory_space<hbm>>)
      tpu.yield
    }) : () -> ()
    %scan3A_40 = arith.constant 0 : i32
    %scan3A_41 = arith.constant 0 : i32
    %scan3A_42 = arith.constant 20 : i32
    %scan3A_43 = arith.addi %scan3A_41, %scan3A_42 : i32
    %scan3A_44 = arith.constant 1 : i32
    scf.for %scan3A_46 = %scan3A_41 to %scan3A_43 step %scan3A_44  : i32 {
      %dma_start3A_47 = arith.constant 0 : i32
      %dma_start3A_48 = tpu.memref_slice %arg11[%scan3A_46, %dma_start3A_47] : memref<20x128xi32, #tpu.memory_space<vmem>> -> memref<1x128xi32, #tpu.memory_space<vmem>>
      %dma_start3A_49 = tpu.memref_squeeze %dma_start3A_48 : memref<1x128xi32, #tpu.memory_space<vmem>> -> memref<128xi32, #tpu.memory_space<vmem>>
      %dma_start3A_50 = arith.constant 0 : i32
      %dma_start3A_51 = arith.constant 0 : i32
      %dma_start3A_52 = tpu.memref_slice %arg6[%dma_start3A_50, %dma_start3A_51] : memref<100000x128xf32, #tpu.memory_space<hbm>> -> memref<100000x128xf32, #tpu.memory_space<hbm>>
      tpu.enqueue_indirect_dma source(%dma_start3A_52 : memref<100000x128xf32, #tpu.memory_space<hbm>>) target(%arg13 : memref<128x128xf32, #tpu.memory_space<vmem>>) offsets(%dma_start3A_49 : memref<128xi32, #tpu.memory_space<vmem>>) semaphore(%arg15 : memref<!tpu.dma_semaphore, #tpu.memory_space<semaphore_mem>>)
      %dma_wait3A_53 = arith.constant 0 : i32
      %dma_wait3A_54 = tpu.memref_slice %arg11[%scan3A_46, %dma_wait3A_53] : memref<20x128xi32, #tpu.memory_space<vmem>> -> memref<1x128xi32, #tpu.memory_space<vmem>>
      %dma_wait3A_55 = tpu.memref_squeeze %dma_wait3A_54 : memref<1x128xi32, #tpu.memory_space<vmem>> -> memref<128xi32, #tpu.memory_space<vmem>>
      %dma_wait3A_56 = arith.constant 0 : i32
      %dma_wait3A_57 = arith.constant 0 : i32
      %dma_wait3A_58 = tpu.memref_slice %arg6[%dma_wait3A_56, %dma_wait3A_57] : memref<100000x128xf32, #tpu.memory_space<hbm>> -> memref<100000x128xf32, #tpu.memory_space<hbm>>
      tpu.wait_indirect_dma semaphore(%arg15 : memref<!tpu.dma_semaphore, #tpu.memory_space<semaphore_mem>>) src(%dma_wait3A_58 : memref<100000x128xf32, #tpu.memory_space<hbm>>) dst(%arg13 : memref<128x128xf32, #tpu.memory_space<vmem>>)
      %scan3A_59 = arith.constant 0 : i32
      %scan3A_60 = arith.constant 0 : i32
      %scan3A_61 = arith.constant 128 : i32
      %scan3A_62 = arith.addi %scan3A_60, %scan3A_61 : i32
      %scan3A_63 = arith.constant 1 : i32
      scf.for %scan3A_65 = %scan3A_60 to %scan3A_62 step %scan3A_63  : i32 {
        %broadcast_in_dim3A = vector.broadcast %scan3A_65 : i32 to vector<16xi32>
        %mul3A_66 = arith.constant 128 : i32
        %mul3A_67 = arith.muli %scan3A_46, %mul3A_66 : i32
        %add3A_68 = arith.addi %mul3A_67, %scan3A_65 : i32
        %div3A = arith.constant 20 : i32
        %div3A_69 = arith.divsi %add3A_68, %div3A : i32
        %broadcast_in_dim3A_70 = vector.broadcast %div3A_69 : i32 to vector<16xi32>
        %gather3A = tpu.vector_load_idx %arg12[%broadcast_in_dim3A_70, %add3A_7] : memref<128x128xf32, #tpu.memory_space<vmem>>[vector<16xi32>, vector<16xi32>], vector<16xf32>,
        %gather3A_71 = tpu.vector_load_idx %arg13[%broadcast_in_dim3A, %add3A_7] : memref<128x128xf32, #tpu.memory_space<vmem>>[vector<16xi32>, vector<16xi32>], vector<16xf32>,
        %mul3A_72 = arith.mulf %gather3A, %gather3A_71 : vector<16xf32>
        %gather3A_73 = tpu.vector_load_idx %arg12[%broadcast_in_dim3A_70, %add3A_10] : memref<128x128xf32, #tpu.memory_space<vmem>>[vector<16xi32>, vector<16xi32>], vector<16xf32>,
        %gather3A_74 = tpu.vector_load_idx %arg13[%broadcast_in_dim3A, %add3A_10] : memref<128x128xf32, #tpu.memory_space<vmem>>[vector<16xi32>, vector<16xi32>], vector<16xf32>,
        %mul3A_75 = arith.mulf %gather3A_73, %gather3A_74 : vector<16xf32>
        %add3A_76 = arith.addf %mul3A_72, %mul3A_75 : vector<16xf32>
        %gather3A_77 = tpu.vector_load_idx %arg12[%broadcast_in_dim3A_70, %add3A_13] : memref<128x128xf32, #tpu.memory_space<vmem>>[vector<16xi32>, vector<16xi32>], vector<16xf32>,
        %gather3A_78 = tpu.vector_load_idx %arg13[%broadcast_in_dim3A, %add3A_13] : memref<128x128xf32, #tpu.memory_space<vmem>>[vector<16xi32>, vector<16xi32>], vector<16xf32>,
        %mul3A_79 = arith.mulf %gather3A_77, %gather3A_78 : vector<16xf32>
        %add3A_80 = arith.addf %add3A_76, %mul3A_79 : vector<16xf32>
        %gather3A_81 = tpu.vector_load_idx %arg12[%broadcast_in_dim3A_70, %add3A_16] : memref<128x128xf32, #tpu.memory_space<vmem>>[vector<16xi32>, vector<16xi32>], vector<16xf32>,
        %gather3A_82 = tpu.vector_load_idx %arg13[%broadcast_in_dim3A, %add3A_16] : memref<128x128xf32, #tpu.memory_space<vmem>>[vector<16xi32>, vector<16xi32>], vector<16xf32>,
        %mul3A_83 = arith.mulf %gather3A_81, %gather3A_82 : vector<16xf32>
        %add3A_84 = arith.addf %add3A_80, %mul3A_83 : vector<16xf32>
        %gather3A_85 = tpu.vector_load_idx %arg12[%broadcast_in_dim3A_70, %add3A_19] : memref<128x128xf32, #tpu.memory_space<vmem>>[vector<16xi32>, vector<16xi32>], vector<16xf32>,
        %gather3A_86 = tpu.vector_load_idx %arg13[%broadcast_in_dim3A, %add3A_19] : memref<128x128xf32, #tpu.memory_space<vmem>>[vector<16xi32>, vector<16xi32>], vector<16xf32>,
        %mul3A_87 = arith.mulf %gather3A_85, %gather3A_86 : vector<16xf32>
        %add3A_88 = arith.addf %add3A_84, %mul3A_87 : vector<16xf32>
        %gather3A_89 = tpu.vector_load_idx %arg12[%broadcast_in_dim3A_70, %add3A_22] : memref<128x128xf32, #tpu.memory_space<vmem>>[vector<16xi32>, vector<16xi32>], vector<16xf32>,
        %gather3A_90 = tpu.vector_load_idx %arg13[%broadcast_in_dim3A, %add3A_22] : memref<128x128xf32, #tpu.memory_space<vmem>>[vector<16xi32>, vector<16xi32>], vector<16xf32>,
        %mul3A_91 = arith.mulf %gather3A_89, %gather3A_90 : vector<16xf32>
        %add3A_92 = arith.addf %add3A_88, %mul3A_91 : vector<16xf32>
        %gather3A_93 = tpu.vector_load_idx %arg12[%broadcast_in_dim3A_70, %add3A_25] : memref<128x128xf32, #tpu.memory_space<vmem>>[vector<16xi32>, vector<16xi32>], vector<16xf32>,
        %gather3A_94 = tpu.vector_load_idx %arg13[%broadcast_in_dim3A, %add3A_25] : memref<128x128xf32, #tpu.memory_space<vmem>>[vector<16xi32>, vector<16xi32>], vector<16xf32>,
        %mul3A_95 = arith.mulf %gather3A_93, %gather3A_94 : vector<16xf32>
        %add3A_96 = arith.addf %add3A_92, %mul3A_95 : vector<16xf32>
        %gather3A_97 = tpu.vector_load_idx %arg12[%broadcast_in_dim3A_70, %add3A_28] : memref<128x128xf32, #tpu.memory_space<vmem>>[vector<16xi32>, vector<16xi32>], vector<16xf32>,
        %gather3A_98 = tpu.vector_load_idx %arg13[%broadcast_in_dim3A, %add3A_28] : memref<128x128xf32, #tpu.memory_space<vmem>>[vector<16xi32>, vector<16xi32>], vector<16xf32>,
        %mul3A_99 = arith.mulf %gather3A_97, %gather3A_98 : vector<16xf32>
        %add3A_100 = arith.addf %add3A_96, %mul3A_99 : vector<16xf32>
        tpu.vector_store_idx %arg14[%broadcast_in_dim3A, %iota3A], %add3A_100 : memref<128x16xf32, #tpu.memory_space<vmem>>[vector<16xi32>, vector<16xi32>], vector<16xf32>,
      }
      %scan3A_64 = arith.constant 128 : i32
      "tpu.region"() ({
        %run_scoped3A = tpu.sem_alloc : memref<!tpu.dma_semaphore, #tpu.memory_space<semaphore_mem>>
        %dma_start3A_65 = arith.constant 0 : i32
        %dma_start3A_66 = arith.constant 0 : i32
        %dma_start3A_67 = tpu.memref_slice %arg8[%add3A, %scan3A_46, %dma_start3A_65, %dma_start3A_66] : memref<32x20x128x16xf32, #tpu.memory_space<hbm>> -> memref<1x1x128x16xf32, #tpu.memory_space<hbm>>
        %dma_start3A_68 = tpu.memref_squeeze %dma_start3A_67 : memref<1x1x128x16xf32, #tpu.memory_space<hbm>> -> memref<128x16xf32, #tpu.memory_space<hbm>>
        %dma_start3A_69 = arith.constant 0 : i32
        %dma_start3A_70 = arith.constant 0 : i32
        %dma_start3A_71 = tpu.memref_slice %arg8[%add3A, %scan3A_46, %dma_start3A_69, %dma_start3A_70] : memref<32x20x128x16xf32, #tpu.memory_space<hbm>> -> memref<1x1x128x16xf32, #tpu.memory_space<hbm>>
        %dma_start3A_72 = tpu.memref_squeeze %dma_start3A_71 : memref<1x1x128x16xf32, #tpu.memory_space<hbm>> -> memref<128x16xf32, #tpu.memory_space<hbm>>
        tpu.enqueue_dma source(%arg14 : memref<128x16xf32, #tpu.memory_space<vmem>>) target(%dma_start3A_72 : memref<128x16xf32, #tpu.memory_space<hbm>>) target_semaphore(%run_scoped3A : memref<!tpu.dma_semaphore, #tpu.memory_space<semaphore_mem>>)
        %dma_wait3A_73 = arith.constant 0 : i32
        %dma_wait3A_74 = arith.constant 0 : i32
        %dma_wait3A_75 = tpu.memref_slice %arg8[%add3A, %scan3A_46, %dma_wait3A_73, %dma_wait3A_74] : memref<32x20x128x16xf32, #tpu.memory_space<hbm>> -> memref<1x1x128x16xf32, #tpu.memory_space<hbm>>
        %dma_wait3A_76 = tpu.memref_squeeze %dma_wait3A_75 : memref<1x1x128x16xf32, #tpu.memory_space<hbm>> -> memref<128x16xf32, #tpu.memory_space<hbm>>
        %dma_wait3A_77 = arith.constant 0 : i32
        %dma_wait3A_78 = arith.constant 0 : i32
        %dma_wait3A_79 = tpu.memref_slice %arg8[%add3A, %scan3A_46, %dma_wait3A_77, %dma_wait3A_78] : memref<32x20x128x16xf32, #tpu.memory_space<hbm>> -> memref<1x1x128x16xf32, #tpu.memory_space<hbm>>
        %dma_wait3A_80 = tpu.memref_squeeze %dma_wait3A_79 : memref<1x1x128x16xf32, #tpu.memory_space<hbm>> -> memref<128x16xf32, #tpu.memory_space<hbm>>
        tpu.wait_dma2 semaphore(%run_scoped3A : memref<!tpu.dma_semaphore, #tpu.memory_space<semaphore_mem>>) src(%arg14 : memref<128x16xf32, #tpu.memory_space<vmem>>) dst(%dma_wait3A_80 : memref<128x16xf32, #tpu.memory_space<hbm>>)
        tpu.yield
      }) : () -> ()
    }
    %scan3A_45 = arith.constant 20 : i32
    return
  }
}

module attributes {stable_mosaic.version = 14 : i64} {
  func.func @_tc_reduce_body(%arg0: memref<10240x128xf32, #tpu.memory_space<vmem>>, %arg1: memref<512x128xf32, #tpu.memory_space<vmem>>, %arg2: memref<1x1xf32, #tpu.memory_space<smem>>) attributes {dimension_semantics = [], scalar_prefetch = 0 : i64, scratch_operands = 0 : i64, tpu.core_type = #tpu.core_type<tc>} {
    %iota3A = tpu.iota {dimensions = array<i32: 0>} : vector<128x8xi32>
    %jit3A = arith.constant 16 : i32
    %div3A = vector.broadcast %jit3A : i32 to vector<128x8xi32>
    %div3A_0 = arith.divsi %iota3A, %div3A : vector<128x8xi32>
    %sign3A = arith.constant 0 : i32
    %sign3A_1 = vector.broadcast %sign3A : i32 to vector<128x8xi32>
    %sign3A_2 = arith.cmpi sgt, %iota3A, %sign3A_1 : vector<128x8xi32>
    %sign3A_3 = arith.extui %sign3A_2 : vector<128x8xi1> to vector<128x8xi32>
    %sign3A_4 = arith.constant 0 : i32
    %sign3A_5 = vector.broadcast %sign3A_4 : i32 to vector<128x8xi32>
    %sign3A_6 = arith.cmpi slt, %iota3A, %sign3A_5 : vector<128x8xi32>
    %sign3A_7 = arith.extui %sign3A_6 : vector<128x8xi1> to vector<128x8xi32>
    %sign3A_8 = arith.subi %sign3A_3, %sign3A_7 : vector<128x8xi32>
    %sign3A_9 = arith.constant 0 : i32
    %sign3A_10 = arith.cmpi sgt, %jit3A, %sign3A_9 : i32
    %sign3A_11 = arith.extui %sign3A_10 : i1 to i32
    %sign3A_12 = arith.constant 0 : i32
    %sign3A_13 = arith.cmpi slt, %jit3A, %sign3A_12 : i32
    %sign3A_14 = arith.extui %sign3A_13 : i1 to i32
    %sign3A_15 = arith.subi %sign3A_11, %sign3A_14 : i32
    %ne3A = vector.broadcast %sign3A_15 : i32 to vector<128x8xi32>
    %ne3A_16 = arith.cmpi ne, %sign3A_8, %ne3A : vector<128x8xi32>
    %rem3A = vector.broadcast %jit3A : i32 to vector<128x8xi32>
    %rem3A_17 = arith.remsi %iota3A, %rem3A : vector<128x8xi32>
    %ne3A_18 = arith.constant 0 : i32
    %ne3A_19 = vector.broadcast %ne3A_18 : i32 to vector<128x8xi32>
    %ne3A_20 = arith.cmpi ne, %rem3A_17, %ne3A_19 : vector<128x8xi32>
    %and3A = arith.andi %ne3A_16, %ne3A_20 : vector<128x8xi1>
    %sub3A = arith.constant 1 : i32
    %sub3A_21 = vector.broadcast %sub3A : i32 to vector<128x8xi32>
    %sub3A_22 = arith.subi %div3A_0, %sub3A_21 : vector<128x8xi32>
    %select_n3A = arith.select %and3A, %sub3A_22, %div3A_0 : vector<128x8xi1>, vector<128x8xi32>
    %iota3A_23 = tpu.iota {dimensions = array<i32: 1>} : vector<128x8xi32>
    %eq3A = arith.cmpi eq, %select_n3A, %iota3A_23 : vector<128x8xi32>
    %convert_element_type3A = arith.extui %eq3A : vector<128x8xi1> to vector<128x8xi32>
    %convert_element_type3A_24 = arith.sitofp %convert_element_type3A : vector<128x8xi32> to vector<128x8xf32>
    %get3A = arith.constant 0 : index
    %get3A_25 = arith.constant 0 : index
    %get3A_26 = vector.load %arg0[%get3A, %get3A_25] : memref<10240x128xf32, #tpu.memory_space<vmem>>, vector<10240x128xf32>
    %dot_general3A = arith.constant dense<0.000000e+00> : vector<10240x8xf32>
    %dot_general3A_27 = tpu.matmul %get3A_26, %convert_element_type3A_24, %dot_general3A {dimension_numbers = #tpu.dot_dimension_numbers<[1], [0], [0], [1], [0, 0, 1, 1], [], []>, transpose_lhs_hint = false} : vector<10240x128xf32>, vector<128x8xf32>, vector<10240x8xf32> -> vector<10240x8xf32>
    %get3A_28 = arith.constant 0 : index
    %get3A_29 = arith.constant 0 : index
    %get3A_30 = vector.load %arg1[%get3A_28, %get3A_29] : memref<512x128xf32, #tpu.memory_space<vmem>>, vector<512x128xf32>
    %dot_general3A_31 = arith.constant dense<0.000000e+00> : vector<512x8xf32>
    %dot_general3A_32 = tpu.matmul %get3A_30, %convert_element_type3A_24, %dot_general3A_31 {dimension_numbers = #tpu.dot_dimension_numbers<[1], [0], [0], [1], [0, 0, 1, 1], [], []>, transpose_lhs_hint = false} : vector<512x128xf32>, vector<128x8xf32>, vector<512x8xf32> -> vector<512x8xf32>
    %min3A = arith.constant 0.000000e+00 : f32
    %min3A_33 = vector.broadcast %min3A : f32 to vector<512x8xf32>
    %min3A_34 = arith.minimumf %dot_general3A_32, %min3A_33 : vector<512x8xf32>
    %abs3A = math.absf %dot_general3A_32 : vector<512x8xf32>
    %neg3A = arith.constant 0.000000e+00 : f32
    %neg3A_35 = vector.broadcast %neg3A : f32 to vector<512x8xf32>
    %neg3A_36 = arith.subf %neg3A_35, %abs3A : vector<512x8xf32>
    %exp3A = math.exp %neg3A_36 : vector<512x8xf32>
    %log1p3A = math.log1p %exp3A : vector<512x8xf32>
    %sub3A_37 = arith.subf %min3A_34, %log1p3A : vector<512x8xf32>
    %reduce_sum3A = vector.shape_cast %sub3A_37 : vector<512x8xf32> to vector<1x512x8xf32>
    %reduce_sum3A_38 = arith.constant dense<0.000000e+00> : vector<1xf32>
    %reduce_sum3A_39 = vector.multi_reduction <add>, %reduce_sum3A, %reduce_sum3A_38 [1, 2] : vector<1x512x8xf32> to vector<1xf32>
    %reduce_sum3A_40 = vector.shape_cast %reduce_sum3A_39 : vector<1xf32> to vector<1x1x1xf32>
    %reduce_sum3A_41 = vector.extract %reduce_sum3A_40[0, 0, 0] : f32 from vector<1x1x1xf32>
    %neg3A_42 = arith.constant 0.000000e+00 : f32
    %neg3A_43 = vector.broadcast %neg3A_42 : f32 to vector<10240x8xf32>
    %neg3A_44 = arith.subf %neg3A_43, %dot_general3A_27 : vector<10240x8xf32>
    %min3A_45 = arith.constant 0.000000e+00 : f32
    %min3A_46 = vector.broadcast %min3A_45 : f32 to vector<10240x8xf32>
    %min3A_47 = arith.minimumf %neg3A_44, %min3A_46 : vector<10240x8xf32>
    %abs3A_48 = math.absf %neg3A_44 : vector<10240x8xf32>
    %neg3A_49 = arith.constant 0.000000e+00 : f32
    %neg3A_50 = vector.broadcast %neg3A_49 : f32 to vector<10240x8xf32>
    %neg3A_51 = arith.subf %neg3A_50, %abs3A_48 : vector<10240x8xf32>
    %exp3A_52 = math.exp %neg3A_51 : vector<10240x8xf32>
    %log1p3A_53 = math.log1p %exp3A_52 : vector<10240x8xf32>
    %sub3A_54 = arith.subf %min3A_47, %log1p3A_53 : vector<10240x8xf32>
    %reduce_sum3A_55 = vector.shape_cast %sub3A_54 : vector<10240x8xf32> to vector<1x10240x8xf32>
    %reduce_sum3A_56 = arith.constant dense<0.000000e+00> : vector<1xf32>
    %reduce_sum3A_57 = vector.multi_reduction <add>, %reduce_sum3A_55, %reduce_sum3A_56 [1, 2] : vector<1x10240x8xf32> to vector<1xf32>
    %reduce_sum3A_58 = vector.shape_cast %reduce_sum3A_57 : vector<1xf32> to vector<1x1x1xf32>
    %reduce_sum3A_59 = vector.extract %reduce_sum3A_58[0, 0, 0] : f32 from vector<1x1x1xf32>
    %add3A = arith.addf %reduce_sum3A_41, %reduce_sum3A_59 : f32
    %neg3A_60 = arith.constant 0.000000e+00 : f32
    %neg3A_61 = arith.subf %neg3A_60, %add3A : f32
    %swap3A = arith.constant 0 : index
    %swap3A_62 = arith.constant 0 : index
    %swap3A_63 = memref.load %arg2[%swap3A, %swap3A_62] : memref<1x1xf32, #tpu.memory_space<smem>>
    memref.store %neg3A_61, %arg2[%swap3A, %swap3A_62] : memref<1x1xf32, #tpu.memory_space<smem>>
    return
  }
}

</mosaic_0001>

<sc_bundles>
// kernel: kernel.4.cloned.1.call-start
scs
__scs_entry_jumppad:
0x0: {  	(pc) =	sbr.rel $0x88, $3  }
0x1: {  	(tag) =	ssettag $0x0;
	lr =	simm.s32 $0x1  }
0x2: {  	[smem:$0x3F9C] =	sst lr;
	_ =	strace $0xD0000000  }
0x3: {  	_ = 	snop  }
0x4: {  	_ = 	snop  }
0x5: {  	_ = 	snop  }
0x6: {  	_ = 	snop  }
0x7: {  	_ = 	snop  }
__scs_overlays_trampoline_lowered:
0x8: {  	[smem:$0x3FAB] =	sst s0  }
0x9: {  	[smem:$0x3FAC] =	sst s1  }
0xa: {  	[smem:$0x3FAD] =	sst s2  }
0xb: {  	[smem:$0x3FAE] =	sst s3  }
0xc: {  	[smem:$0x3FAF] =	sst s4  }
0xd: {  	[smem:$0x3FB0] =	sst s5  }
0xe: {  	[smem:$0x3FB1] =	sst s6  }
0xf: {  	[smem:$0x3FB2] =	sst s7  }
0x10: {  	[smem:$0x3FB3] =	sst s8  }
0x11: {  	[smem:$0x3FB4] =	sst s9;
	s0 =	simm.s32 @!p0 $0x0  }
0x12: {  	s1 =	sld [smem:$0x3F9A];
	s0 =	simm.s32 @p0 $0x1  }
0x13: {  	[smem:$0x3FB5] =	sst s0;
	s0 =	simm.s32 @!p1 $0x0  }
0x14: {  	s2 =	sld [smem:$0x3F99];
	s0 =	simm.s32 @p1 $0x1  }
0x15: {  	[smem:$0x3FB6] =	sst s0;
	s0 =	simm.s32 @!p2 $0x0  }
0x16: {  	s3 =	sld [smem:$0x3FDB];
	s0 =	simm.s32 @p2 $0x1  }
0x17: {  	s4 =	simm.s32 $0x1BF5;
	[smem:$0x3FB8] =	sst s0  }
0x18: {  	s0 =	sld [smem:$0x3F9B];
	_ =	swait.ge [sflag:s4], $0x0  }
0x19: {  	s7 =	sld [smem:$0x3F9C]  }
0x1a: {  	s8 =	sadd.s32 $0xFFFFE003, lr  }
0x1b: {  	s9 =	sadd.s32 $0xFFFFFEF7, lr;
	s5 =	simm.s32 $0xFFFFFFFF;
	p2 =	slt.u32 s8, $0xFFFFF086  }
0x1c: {  	p1 =	slt.u32 s9, $0xF7A;
	s5 =	simm.s32 @!p2 $0x0  }
0x1d: {  	s5 =	simm.s32 @p1 $0x1;
	p0 =	seq.s32 s7, s2  }
0x1e: {  	s7 =	smul.u32 @!p0 $0xF7A, s2;
	p2 =	seq.s32 @!p0 s5, $0x0  }
0x1f: {  	s9 =	smul.u32 $0xF7A, s1;
	s8 =	simm.s32 @!p0 $0x1BF5;
	p2 =	por !p2, p0  }
0x20: {  	[sflag:s8] =	ssyncset.s32 @!p0 $0xFFFFF086;
	s6 =	sadd.s32 @!p0 s3, s7;
	s7 =	simm.s32 @!p0 $0x108  }
0x21: {  	s3 =	sadd.s32 s3, s9;
	s6 =	sadd.s32 @!p0 $0x88, s6;
	s7 =	simm.s32 @p2 $0x1082  }
0x22: {  	[simem:s7], [sflag:s8] =	dma.local @!p0 [hbm:s6], $0xF7A  }
0x23: {  	s9 =	sor.u32 $0xD0000000, s2;
	s6 =	simm.s32 $0x108;
	_ =	swait.ge @!p0 [sflag:s8], $0x0  }
0x24: {  	s3 =	sadd.s32 $0x88, s3;
	s6 =	simm.s32 @!p1 $0x1082;
	[sflag:s4] =	ssyncset.s32 $0xFFFFF086  }
0x25: {  	[simem:s6], [sflag:s4] =	dma.local [hbm:s3], $0xF7A  }
0x26: {  	[smem:$0x3F9C] =	sst s1;
	(tag) =	ssettag s2;
	_ =	strace s9  }
0x27: {  	s1 =	sld [smem:$0x3FAC]  }
0x28: {  	s2 =	sld [smem:$0x3FAD]  }
0x29: {  	s4 =	sld [smem:$0x3FAF]  }
0x2a: {  	p0 =	seq.s32 s5, $0x0;
	s5 =	sld [smem:$0x3FB0]  }
0x2b: {  	s6 =	sld [smem:$0x3FB1]  }
0x2c: {  	s7 =	sld [smem:$0x3FB2]  }
0x2d: {  	s3 =	simm.s32 $0x108;
	s8 =	sld [smem:$0x3FB3]  }
0x2e: {  	s3 =	simm.s32 @!p0 $0x1082;
	s9 =	sld [smem:$0x3FB4]  }
0x2f: {  	lr =	sadd.s32 s0, s3;
	s0 =	sld [smem:$0x3FAB]  }
0x30: {  	s3 =	sld [smem:$0x3FAE]  }
0x31: {  	[smem:$0x3FB7] =	sst s10  }
0x32: {  	s10 =	sld [smem:$0x3FB5];
	_ =	sdelay $0x3  }
0x33: {  	p0 =	seq.s32 s10, $0x1;
	s10 =	sld [smem:$0x3FB7];
	_ =	sdelay $0x3  }
0x34: {  	[smem:$0x3FB7] =	sst s10  }
0x35: {  	s10 =	sld [smem:$0x3FB6];
	_ =	sdelay $0x3  }
0x36: {  	p1 =	seq.s32 s10, $0x1;
	s10 =	sld [smem:$0x3FB7];
	_ =	sdelay $0x3  }
0x37: {  	[smem:$0x3FB7] =	sst s10  }
0x38: {  	s10 =	sld [smem:$0x3FB8]  }
0x39: {  	_ = 	snop;
	(pc) =	sbr.ind lr, $3  }
0x3a: {  	_ = 	snop  }
0x3b: {  	_ = 	snop  }
0x3c: {  	p2 =	seq.s32 s10, $0x1;
	s10 =	sld [smem:$0x3FB7]  }
0x3d: {  	_ =	shalt  }
0x3e: {  	_ =	shalt  }
0x3f: {  	_ =	shalt  }
0x40: {  	_ =	shalt  }
0x41: {  	_ =	shalt  }
0x42: {  	_ =	shalt  }
0x43: {  	_ =	shalt  }
0x44: {  	_ =	shalt  }
0x45: {  	_ =	shalt  }
0x46: {  	_ =	shalt  }
0x47: {  	_ =	shalt  }
0x48: {  	_ =	shalt  }
0x49: {  	_ =	shalt  }
0x4a: {  	_ =	shalt  }
0x4b: {  	_ =	shalt  }
0x4c: {  	_ =	shalt  }
0x4d: {  	_ =	shalt  }
0x4e: {  	_ =	shalt  }
0x4f: {  	_ =	shalt  }
0x50: {  	_ =	shalt  }
0x51: {  	_ =	shalt  }
0x52: {  	_ =	shalt  }
0x53: {  	_ =	shalt  }
0x54: {  	_ =	shalt  }
0x55: {  	_ =	shalt  }
0x56: {  	_ =	shalt  }
0x57: {  	_ =	shalt  }
0x58: {  	_ =	shalt  }
0x59: {  	_ =	shalt  }
0x5a: {  	_ =	shalt  }
0x5b: {  	_ =	shalt  }
0x5c: {  	_ =	shalt  }
0x5d: {  	_ =	shalt  }
0x5e: {  	_ =	shalt  }
0x5f: {  	_ =	shalt  }
0x60: {  	_ =	shalt  }
0x61: {  	_ =	shalt  }
0x62: {  	_ =	shalt  }
0x63: {  	_ =	shalt  }
0x64: {  	_ =	shalt  }
0x65: {  	_ =	shalt  }
0x66: {  	_ =	shalt  }
0x67: {  	_ =	shalt  }
0x68: {  	_ =	shalt  }
0x69: {  	_ =	shalt  }
0x6a: {  	_ =	shalt  }
0x6b: {  	_ =	shalt  }
0x6c: {  	_ =	shalt  }
0x6d: {  	_ =	shalt  }
0x6e: {  	_ =	shalt  }
0x6f: {  	_ =	shalt  }
0x70: {  	_ =	shalt  }
0x71: {  	_ =	shalt  }
0x72: {  	_ =	shalt  }
0x73: {  	_ =	shalt  }
0x74: {  	_ =	shalt  }
0x75: {  	_ =	shalt  }
0x76: {  	_ =	shalt  }
0x77: {  	_ =	shalt  }
0x78: {  	_ =	shalt  }
0x79: {  	_ =	shalt  }
0x7a: {  	_ =	shalt  }
0x7b: {  	_ =	shalt  }
0x7c: {  	_ =	shalt  }
0x7d: {  	_ =	shalt  }
0x7e: {  	_ =	shalt  }
0x7f: {  	_ =	shalt  }
0x80: {  	_ =	shalt  }
0x81: {  	_ =	shalt  }
0x82: {  	_ =	shalt  }
0x83: {  	_ =	shalt  }
0x84: {  	_ =	shalt  }
0x85: {  	_ =	shalt  }
0x86: {  	_ =	shalt  }
0x87: {  	_ =	shalt  }
.Lfunc_end0:
.L_simem_size_0:
called_computation_lowered:
.L_overlay_start_0:
0x88: {  	s2 =	sld [smem:$0x3FD9]  }
0x89: {  	s3 =	sld [smem:$0x3FFE];
	_ =	sdelay $0x1  }
0x8a: {  	s1 =	srdreg.scid  }
0x8b: {  	s0 =	sand.u32 $0x1, s1  }
0x8c: {  	s17 =	sshll.u32 s0, $0xA;
	s2 =	sadd.s32 s3, s2  }
0x8d: {  	s2 =	sadd.s32 s2, s17  }
0x8e: {  	[smem:$0x3FC3] =	sst s2  }
0x8f: {  	_ = 	snop  }
0x90: {  	s2 =	sld [smem:$0x3FC9]  }
0x91: {  	s18 =	sld [smem:$0x3FC8]  }
0x92: {  	s4 =	sld [smem:$0x3FC6]  }
0x93: {  	s5 =	sld [smem:$0x3FC5];
	(tm) =	ssettm $0x1  }
0x94: {  	s6 =	sld [smem:$0x3FFB];
	_ =	sdelay $0x3  }
0x95: {  	_ =	strace s6  }
0x96: {  	s6 =	sld [smem:$0x3FFC];
	_ =	sdelay $0x3  }
0x97: {  	_ =	strace s6  }
0x98: {  	s6 =	sld [smem:$0x3FFD];
	_ =	sdelay $0x3  }
0x99: {  	_ =	strace s6  }
0x9a: {  	_ =	strace $0x8FFFFFFF  }
0x9b: {  	s19 =	sld [smem:$0x3FDB];
	_ =	sdelay $0x1  }
0x9c: {  	s7 =	simm.s32 $_scs_section_size  }
0x9d: {  	s8 =	simm.s32 $_size__tile_overlayer_lowered;
	s9 =	simm.s32 $_tile_overlayer_lowered  }
0x9e: {  	s22 =	simm.s32 $0x1BFF;
	s21 =	sshll.u32 s9, $0x1;
	s6 =	sadd.s32 s7, s19  }
0x9f: {  	s10 =	simm.s32 $0x0;
	s20 =	sshll.u32 s8, $0x1;
	s8 =	sadd.s32 s21, s6  }
0xa0: {  	[timem:s10], [sflag:s22] =	dma.local [hbm:s8], s20  }
0xa1: {  	_ =	swait.ge [sflag:s22], s20  }
0xa2: {  	s7 =	ssub.s32 $0x0, s20;
	[sflag:s22] =	ssyncset.done $0x0  }
0xa3: {  	[sflag:s22] =	ssyncadd.s32 s7;
	_ =	sdelay $0x1  }
0xa4: {  	s23 =	simm.s32 $0x1B8B  }
0xa5: {  	_ =	swait.ge [sflag:s23], $0x1  }
0xa6: {  	[sflag:s23] =	ssyncset.done $0x0  }
0xa7: {  	s25 =	simm.s32 $0x1B8E;
	s24 =	sld [smem:$0x3FFE];
	[sflag:s23] =	ssyncadd.s32 $0xFFFFFFFF  }
0xa8: {  	s26 =	simm.s32 $execute0_lowered;
	[smem:$0x3FD2] =	sst s25  }
0xa9: {  	s8 =	sshll.u32 s26, $0x1;
	_ =	strace $0x80000046;
	[dreg:$0x1] =	wrdreg $0xFFFFFFFF  }
0xaa: {  	s28 =	simm.s32 $_size_execute0_lowered;
	s6 =	sadd.s32 s6, s8;
	[dreg:$0x0] =	wrdreg $0x0  }
0xab: {  	s8 =	sshll.u32 s28, $0x1;
	[dreg:$0x2] =	wrdreg s6  }
0xac: {  	[dreg:$0x3] =	wrdreg s8  }
0xad: {  	[dreg:$0x4] =	wrdreg $0xC0  }
0xae: {  	_ =	task [dreg:s10], $0x5FFFF  }
0xaf: {  	[dreg:$0x1] =	wrdreg $0xFFFFFFFF  }
0xb0: {  	[dreg:$0x0] =	wrdreg $0x60  }
0xb1: {  	[dreg:$0x2] =	wrdreg s2  }
0xb2: {  	[dreg:$0x3] =	wrdreg s18  }
0xb3: {  	[dreg:$0x4] =	wrdreg s24  }
0xb4: {  	[dreg:$0x5] =	wrdreg s4  }
0xb5: {  	[dreg:$0x6] =	wrdreg s5  }
0xb6: {  	[dreg:$0x7] =	wrdreg $0x9  }
0xb7: {  	_ =	task.clear_ibuf [dreg:s10], $0x8FFFF;
	_ =	strace $0x90000046  }
0xb8: {  	s29 =	simm.s32 $0x9;
	_ =	strace $0x80000048  }
0xb9: {  	_ =	swait.ge [sflag:s29], $0x1  }
0xba: {  	[sflag:s29] =	ssyncadd.s32 $0xFFFFFFFF  }
0xbb: {  	_ =	strace $0x90000048  }
0xbc: {  	_ =	sfence  }
0xbd: {  	s30 =	sld [smem:$0x0];
	_ =	sdelay $0x2  }
0xbe: {  	s31 =	sshll.u32 s1, $0xD;
	s1 =	sshrl.u32 s1, $0x2  }
0xbf: {  	s3 =	sand.u32 $0x4000, s31;
	s1 =	sadd.s32 s1, s30  }
0xc0: {  	s0 =	sor.u32 s3, s0;
	s1 =	sshll.u32 s1, $0x11  }
0xc1: {  	s0 =	sor.u32 s1, s0  }
0xc2: {  	s0 =	sadd.s32 $0x8F2B, s0  }
0xc3: {  	[sflag:s0] =	ssyncadd.remote.s32 $0x1  }
0xc4: {  	_ =	sfence.sel $0xFFFF  }
0xc5: {  	[dreg:$0x0] =	wrdreg $0xFFFFFFFF;
	(pc) =	sbr.abs _section_cstart, $3  }
0xc6: {  	[dreg:$0x1] =	wrdreg $0xFFFFFFFF  }
0xc7: {  	_ =	task.clear_ibuf [dreg:s10], $0x2FFFF;
	_ =	strace $0x9FFFFFFF  }
0xc8: {  	(tm) =	ssettm $0x7FFFFFFF  }
0xc9: {  	_ =	shalt  }
tec
execute0_lowered:
.L_overlay_start_1:
0x0: {  	(tag) =	ssettag $0x1  }
0x1: {  	s6 =	rddreg [dreg:$0x0]  }
0x2: {  	s7 =	rddreg [dreg:$0x1]  }
0x3: {  	s5 =	rddreg [dreg:$0x2]  }
0x4: {  	s2 =	rddreg [dreg:$0x3];
	s1 =	srdreg.scid  }
0x5: {  	s0 =	stileid.u32;
	s3 =	rddreg [dreg:$0x4]  }
0x6: {  	s4 =	simm.s32 $0x0;
	s14 =	simm.s32 $0x100;
	s15 =	simm.s32 $0xD00  }
0x7: {  	s16 =	simm.s32 $0x1;
	s17 =	simm.s32 $0x4D00;
	s18 =	simm.s32 $0x8D00  }
0x8: {  	s8 =	sand.u32 $0x1, s1;
	s9 =	sshll.u32 s0, $0x1;
	s1 =	rddreg [dreg:$0x5]  }
0x9: {  	s19 =	simm.s32 $0x0;
	[smem:$0x7FF] =	sst s4;
	s10 =	sor.u32 s8, s9  }
0xa: {  	_ =	strace $0x80000047;
	s8 =	ssub.s32 $0x2, s8;
	s9 =	smul.u32 $0x180, s10  }
0xb: {  	s11 =	sshll.u32 s10, $0xB;
	s12 =	sshrl.u32 s8, $0x1;
	s13 =	sshll.u32 s10, $0x4  }
0xc: {  	v0 =	vlaneseq.u32;
	s10 =	smul.u32 $0x50000, s10;
	s11 =	sadd.s32 s11, s5;
	s12 =	ssub.s32 s8, s12  }
0xd: {  	v1 =	vor.u32 $0x10, v0;
	s6 =	sadd.s32 s6, s13;
	s7 =	sadd.s32 s7, s13;
	s9 =	sadd.s32 s9, s5  }
0xe: {  	v2 =	vor.u32 $0x20, v0;
	v3 =	vor.u32 $0x30, v0;
	v4 =	vor.u32 $0x40, v0;
	s13 =	simm.s32 $0x80;
	s5 =	sadd.s32 $0x3A00, s5;
	s8 =	sadd.s32 $0xA00, s9  }
0xf: {  	v5 =	vor.u32 $0x50, v0;
	v6 =	vor.u32 $0x60, v0;
	v7 =	vor.u32 $0x70, v0;
	s9 =	sadd.s32 $0x143A00, s11;
	s11 =	smax.u32 s12, $0x1;
	s12 =	simm.s32 $0x2  }
.LBB2_1:
0x10: {  	[tilespmem:s4], [sflag:$0x2] =	stream.linear.gather [hbm4b:s6+s4], $0x80, $0x38;
	[tilespmem:$0xCD00] =	vst v63  }
0x11: {  	_ =	swait.ge [sflag:s12], $0x80  }
0x12: {  	[sflag:s12] =	ssyncset.done $0x0  }
0x13: {  	[sflag:s12] =	ssyncadd.s32 $0xFFFFFF80  }
0x14: {  	[tilespmem:s13], [sflag:$0x2] =	stream.linear.gather [hbm4b:s7+s4], $0x80, $0x38;
	[tilespmem:$0xCD00] =	vst v63  }
0x15: {  	_ =	swait.ge [sflag:s12], $0x80  }
0x16: {  	[sflag:s12] =	ssyncset.done $0x0  }
0x17: {  	[sflag:s12] =	ssyncadd.s32 $0xFFFFFF80  }
0x18: {  	[tilespmem:s14], [sflag:$0x2] =	stream.linear.gather [hbm4b:s8+s4], $0xA00, $0x38;
	[tilespmem:$0xCD00] =	vst v63  }
0x19: {  	_ =	swait.ge [sflag:s12], $0xA00  }
0x1a: {  	[sflag:s12] =	ssyncset.done $0x0  }
0x1b: {  	[sflag:s12] =	ssyncadd.s32 $0xFFFFF600  }
0x1c: {  	[tilespmem:s15], [sflag:$0x1] =	stream.indirect.gather [hbm4b:s2+s13], $0x80, s4, s13, $0xb8;
	[tilespmem:$0xCD00] =	vst v63  }
0x1d: {  	_ =	swait.ge [sflag:s16], $0x4000  }
0x1e: {  	s20 =	simm.s32 $0x0;
	[sflag:s16] =	ssyncset.done $0x0  }
0x1f: {  	v8 =	vor.u32 s20, v0;
	[sflag:s16] =	ssyncadd.s32 $0xFFFFC000  }
0x20: {  	[tilespmem:s17], [sflag:$0x1] =	stream.indirect.gather [hbm4b:s3+s13], $0x80, s13, s13, $0xb8;
	[tilespmem:$0xCD00] =	vst v63  }
0x21: {  	v9 =	vor.u32 s20, v1;
	_ =	swait.ge [sflag:s16], $0x4000  }
0x22: {  	[sflag:s16] =	ssyncset.done $0x0  }
0x23: {  	v10 =	vor.u32 s20, v2;
	[sflag:s16] =	ssyncadd.s32 $0xFFFFC000  }
0x24: {  	v11 =	vld.idx.msk [tilespmem:v8+s17+$0x0], $0xffff  }
0x25: {  	v13 =	vor.u32 s20, v3;
	v12 =	vld.idx.msk [tilespmem:v8+s15+$0x0], $0xffff  }
0x26: {  	v14 =	vld.idx.msk [tilespmem:v9+s15+$0x0], $0xffff  }
0x27: {  	v15 =	vor.u32 s20, v4;
	v9 =	vld.idx.msk [tilespmem:v9+s17+$0x0], $0xffff  }
0x28: {  	v16 =	vld.idx.msk [tilespmem:v10+s15+$0x0], $0xffff  }
0x29: {  	v17 =	vor.u32 s20, v5;
	v10 =	vld.idx.msk [tilespmem:v10+s17+$0x0], $0xffff  }
0x2a: {  	v18 =	vld.idx.msk [tilespmem:v13+s15+$0x0], $0xffff  }
0x2b: {  	v19 =	vor.u32 s20, v6;
	v13 =	vld.idx.msk [tilespmem:v13+s17+$0x0], $0xffff  }
0x2c: {  	v20 =	vld.idx.msk [tilespmem:v15+s15+$0x0], $0xffff;
	v11 =	vmul.f32 v11, v12;
	v9 =	vmul.f32 v9, v14  }
0x2d: {  	v58 =	vor.u32 s20, v7;
	v57 =	vld.idx.msk [tilespmem:v15+s17+$0x0], $0xffff  }
0x2e: {  	v59 =	vld.idx.msk [tilespmem:v17+s15+$0x0], $0xffff;
	v10 =	vmul.f32 v10, v16;
	v9 =	vadd.f32 v9, v11  }
0x2f: {  	v11 =	vld.idx.msk [tilespmem:v17+s17+$0x0], $0xffff  }
0x30: {  	v60 =	vld.idx.msk [tilespmem:v19+s15+$0x0], $0xffff;
	v9 =	vadd.f32 v10, v9;
	v10 =	vmul.f32 v13, v18  }
0x31: {  	v61 =	vld.idx.msk [tilespmem:v19+s17+$0x0], $0xffff  }
0x32: {  	v62 =	vld.idx.msk [tilespmem:v58+s15+$0x0], $0xffff;
	v9 =	vadd.f32 v10, v9;
	v10 =	vmul.f32 v57, v20  }
0x33: {  	v63 =	vld.idx.msk [tilespmem:v58+s17+$0x0], $0xffff  }
0x34: {  	v9 =	vadd.f32 v10, v9;
	v10 =	vmul.f32 v11, v59;
	_ =	sdelay $0x1  }
0x35: {  	v9 =	vadd.f32 v10, v9;
	v10 =	vmul.f32 v61, v60;
	_ =	sdelay $0x1  }
0x36: {  	v12 =	vmul.f32 v63, v62;
	v11 =	vadd.f32 v10, v9  }
0x37: {  	s21 =	simm.s32 $0x80  }
0x38: {  	s20 =	simm.s32 $0x2;
	v9 =	vor.u32 s21, v0;
	v10 =	vor.u32 s21, v1;
	v11 =	vadd.f32 v12, v11  }
.LBB2_2:
0x39: {  	p0 =	sne.s32 s20, $0x7F  }
0x3a: {  	v12 =	vor.u32 s21, v2;
	[tilespmem:v8+s18+$0x0] =	vst.idx.msk $0xffff, v11;
	v8 =	vmov v9  }
0x3b: {  	v11 =	vld.idx.msk [tilespmem:v9+s17+$0x0], $0xffff  }
0x3c: {  	v13 =	vor.u32 s21, v3;
	v9 =	vld.idx.msk [tilespmem:v9+s15+$0x0], $0xffff  }
0x3d: {  	v14 =	vld.idx.msk [tilespmem:v10+s15+$0x0], $0xffff  }
0x3e: {  	v15 =	vor.u32 s21, v4;
	v10 =	vld.idx.msk [tilespmem:v10+s17+$0x0], $0xffff  }
0x3f: {  	v16 =	vld.idx.msk [tilespmem:v12+s15+$0x0], $0xffff  }
0x40: {  	v17 =	vor.u32 s21, v5;
	v12 =	vld.idx.msk [tilespmem:v12+s17+$0x0], $0xffff  }
0x41: {  	v18 =	vld.idx.msk [tilespmem:v13+s15+$0x0], $0xffff  }
0x42: {  	v19 =	vor.u32 s21, v6;
	v13 =	vld.idx.msk [tilespmem:v13+s17+$0x0], $0xffff  }
0x43: {  	v20 =	vld.idx.msk [tilespmem:v15+s15+$0x0], $0xffff  }
0x44: {  	v9 =	vmul.f32 v11, v9;
	v10 =	vmul.f32 v10, v14;
	v14 =	vor.u32 s21, v7;
	v11 =	vld.idx.msk [tilespmem:v15+s17+$0x0], $0xffff  }
0x45: {  	v15 =	vld.idx.msk [tilespmem:v17+s15+$0x0], $0xffff  }
0x46: {  	v9 =	vadd.f32 v10, v9;
	v10 =	vmul.f32 v12, v16;
	v12 =	vld.idx.msk [tilespmem:v17+s17+$0x0], $0xffff  }
0x47: {  	v16 =	vld.idx.msk [tilespmem:v19+s15+$0x0], $0xffff  }
0x48: {  	v9 =	vadd.f32 v10, v9;
	v10 =	vmul.f32 v13, v18;
	v13 =	vld.idx.msk [tilespmem:v19+s17+$0x0], $0xffff  }
0x49: {  	v17 =	vld.idx.msk [tilespmem:v14+s15+$0x0], $0xffff  }
0x4a: {  	v9 =	vadd.f32 v10, v9;
	v10 =	vmul.f32 v11, v20;
	v11 =	vld.idx.msk [tilespmem:v14+s17+$0x0], $0xffff;
	_ =	sdelay $0x1  }
0x4b: {  	v9 =	vadd.f32 v10, v9;
	v10 =	vmul.f32 v12, v15;
	_ =	sdelay $0x1  }
.Ltmp0:
0x4c: {  	v10 =	vadd.f32 v10, v9;
	v12 =	vmul.f32 v13, v16;
	(pc) =	sbr.rel @p0 .LBB2_2-.Ltmp0, $3  }
0x4d: {  	s21 =	sshll.u32 s20, $0x7  }
0x4e: {  	v9 =	vor.u32 s21, v0;
	v12 =	vadd.f32 v12, v10;
	v11 =	vmul.f32 v11, v17;
	_ =	sdelay $0x1  }
0x4f: {  	s20 =	sadd.s32 $0x1, s20;
	v10 =	vor.u32 s21, v1;
	v11 =	vadd.f32 v11, v12  }
0x50: {  	_ =	sdelay $0x3  }
0x51: {  	v12 =	vor.u32 s21, v2;
	[tilespmem:v8+s18+$0x0] =	vst.idx.msk $0xffff, v11  }
0x52: {  	v8 =	vld.idx.msk [tilespmem:v9+s17+$0x0], $0xffff  }
0x53: {  	v13 =	vor.u32 s21, v3;
	v11 =	vld.idx.msk [tilespmem:v9+s15+$0x0], $0xffff  }
0x54: {  	v14 =	vld.idx.msk [tilespmem:v10+s15+$0x0], $0xffff  }
0x55: {  	v15 =	vor.u32 s21, v4;
	v49 =	vld.idx.msk [tilespmem:v10+s17+$0x0], $0xffff  }
0x56: {  	v16 =	vld.idx.msk [tilespmem:v12+s15+$0x0], $0xffff  }
0x57: {  	v17 =	vor.u32 s21, v5;
	v12 =	vld.idx.msk [tilespmem:v12+s17+$0x0], $0xffff  }
0x58: {  	v18 =	vld.idx.msk [tilespmem:v13+s15+$0x0], $0xffff  }
0x59: {  	v19 =	vor.u32 s21, v6;
	v13 =	vld.idx.msk [tilespmem:v13+s17+$0x0], $0xffff  }
0x5a: {  	v20 =	vld.idx.msk [tilespmem:v15+s15+$0x0], $0xffff;
	v8 =	vmul.f32 v8, v11;
	v10 =	vmul.f32 v49, v14  }
0x5b: {  	v51 =	vor.u32 s21, v7;
	v50 =	vld.idx.msk [tilespmem:v15+s17+$0x0], $0xffff  }
0x5c: {  	v52 =	vld.idx.msk [tilespmem:v17+s15+$0x0], $0xffff;
	v8 =	vadd.f32 v10, v8;
	v53 =	vmul.f32 v12, v16  }
0x5d: {  	v54 =	vld.idx.msk [tilespmem:v17+s17+$0x0], $0xffff  }
0x5e: {  	v55 =	vld.idx.msk [tilespmem:v19+s15+$0x0], $0xffff;
	v56 =	vmul.f32 v13, v18;
	v8 =	vadd.f32 v53, v8  }
0x5f: {  	v57 =	vld.idx.msk [tilespmem:v19+s17+$0x0], $0xffff  }
0x60: {  	v58 =	vld.idx.msk [tilespmem:v51+s15+$0x0], $0xffff;
	v59 =	vmul.f32 v50, v20;
	v8 =	vadd.f32 v56, v8  }
0x61: {  	v60 =	vld.idx.msk [tilespmem:v51+s17+$0x0], $0xffff  }
0x62: {  	v61 =	vmul.f32 v54, v52;
	v8 =	vadd.f32 v59, v8;
	_ =	sdelay $0x1  }
0x63: {  	v62 =	vmul.f32 v57, v55;
	v8 =	vadd.f32 v61, v8;
	_ =	sdelay $0x1  }
0x64: {  	v63 =	vmul.f32 v60, v58;
	v8 =	vadd.f32 v62, v8;
	_ =	sdelay $0x1  }
0x65: {  	v8 =	vadd.f32 v63, v8;
	_ =	sdelay $0x1  }
0x66: {  	s20 =	simm.s32 $0x0;
	[tilespmem:v9+s18+$0x0] =	vst.idx.msk $0xffff, v8  }
0x67: {  	[hbm4b:s9+s20] =	stream.linear.scatter [tilespmem:s18], [sflag:$0x2], $0x4000, $0x38;
	[tilespmem:$0xCD00] =	vst v63  }
0x68: {  	_ =	swait.ge [sflag:s12], $0x4000  }
0x69: {  	[sflag:s12] =	ssyncset.done $0x0  }
0x6a: {  	s21 =	simm.s32 $0x0;
	[sflag:s12] =	ssyncadd.s32 $0xFFFFC000  }
.LBB2_4:
0x6b: {  	s22 =	sadd.s32 $0x0, s20;
	s23 =	sshll.u32 s21, $0x7  }
0x6c: {  	s24 =	simm.s32 $0x0;
	s22 =	smulhi.u32 $0xCCCCCCCD, s22;
	s23 =	sadd.s32 $0x100, s23  }
0x6d: {  	[tilespmem:s17], [sflag:$0x1] =	stream.indirect.gather [hbm4b:s3+s13], $0x80, s23, s13, $0xb8;
	[tilespmem:$0xCD00] =	vst v63  }
0x6e: {  	v8 =	vor.u32 s24, v0;
	s22 =	sshll.u32 s22, $0x3  }
0x6f: {  	v11 =	vor.u32 s24, v1;
	s22 =	sand.u32 $0xFFFFFF80, s22  }
0x70: {  	_ =	swait.ge [sflag:s16], $0x4000;
	v9 =	vor.u32 s22, v0  }
0x71: {  	[sflag:s16] =	ssyncset.done $0x0;
	v10 =	vor.u32 s22, v1  }
0x72: {  	v14 =	vor.u32 s24, v2;
	[sflag:s16] =	ssyncadd.s32 $0xFFFFC000  }
0x73: {  	v12 =	vor.u32 s22, v2;
	v13 =	vld.idx.msk [tilespmem:v8+s17+$0x0], $0xffff  }
0x74: {  	v16 =	vor.u32 s24, v3;
	v11 =	vld.idx.msk [tilespmem:v11+s17+$0x0], $0xffff  }
0x75: {  	v15 =	vor.u32 s22, v3;
	v9 =	vld.idx.msk [tilespmem:v9+s15+$0x0], $0xffff  }
0x76: {  	v17 =	vor.u32 s22, v4;
	v10 =	vld.idx.msk [tilespmem:v10+s15+$0x0], $0xffff  }
0x77: {  	v18 =	vor.u32 s24, v4;
	v14 =	vld.idx.msk [tilespmem:v14+s17+$0x0], $0xffff  }
0x78: {  	v12 =	vld.idx.msk [tilespmem:v12+s15+$0x0], $0xffff  }
0x79: {  	v16 =	vld.idx.msk [tilespmem:v16+s17+$0x0], $0xffff  }
0x7a: {  	v19 =	vor.u32 s22, v5;
	v15 =	vld.idx.msk [tilespmem:v15+s15+$0x0], $0xffff  }
0x7b: {  	v20 =	vor.u32 s24, v5;
	v17 =	vld.idx.msk [tilespmem:v17+s15+$0x0], $0xffff;
	v9 =	vmul.f32 v13, v9;
	v10 =	vmul.f32 v11, v10  }
0x7c: {  	v22 =	vor.u32 s24, v6;
	v11 =	vld.idx.msk [tilespmem:v18+s17+$0x0], $0xffff  }
0x7d: {  	v21 =	vor.u32 s22, v6;
	v9 =	vadd.f32 v10, v9;
	v10 =	vmul.f32 v14, v12  }
0x7e: {  	v14 =	vor.u32 s22, v7  }
0x7f: {  	v13 =	vld.idx.msk [tilespmem:v19+s15+$0x0], $0xffff;
	v9 =	vadd.f32 v10, v9;
	v10 =	vmul.f32 v16, v15;
	v15 =	vor.u32 s24, v7  }
0x80: {  	v12 =	vld.idx.msk [tilespmem:v20+s17+$0x0], $0xffff  }
0x81: {  	v63 =	vld.idx.msk [tilespmem:v22+s17+$0x0], $0xffff;
	v9 =	vadd.f32 v10, v9;
	v10 =	vmul.f32 v11, v17  }
0x82: {  	v62 =	vld.idx.msk [tilespmem:v21+s15+$0x0], $0xffff  }
0x83: {  	v11 =	vadd.f32 v10, v9;
	v9 =	vld.idx.msk [tilespmem:v14+s15+$0x0], $0xffff  }
0x84: {  	v10 =	vld.idx.msk [tilespmem:v15+s17+$0x0], $0xffff  }
0x85: {  	s31 =	sadd.s32 $0x1, s20;
	v12 =	vmul.f32 v12, v13  }
0x86: {  	s24 =	smulhi.u32 $0xCCCCCCCD, s31  }
0x87: {  	s23 =	simm.s32 $0x1;
	s22 =	simm.s32 $0x2;
	v11 =	vadd.f32 v12, v11;
	v12 =	vmul.f32 v63, v62  }
.LBB2_5:
0x88: {  	p0 =	sne.s32 s22, $0x7F;
	s24 =	sshll.u32 s24, $0x3;
	s25 =	sshll.u32 s23, $0x7  }
0x89: {  	v9 =	vmul.f32 v10, v9;
	s23 =	smov.u32 s22;
	s24 =	sand.u32 $0xFFFFFF80, s24;
	v13 =	vor.u32 s25, v0;
	v11 =	vadd.f32 v12, v11  }
0x8a: {  	v10 =	vor.u32 s24, v0  }
0x8b: {  	v12 =	vor.u32 s24, v1;
	v9 =	vadd.f32 v9, v11  }
0x8c: {  	v11 =	vor.u32 s25, v1  }
0x8d: {  	v14 =	vor.u32 s24, v2;
	[tilespmem:v8+s18+$0x0] =	vst.idx.msk $0xffff, v9;
	v8 =	vmov v13  }
0x8e: {  	v9 =	vld.idx.msk [tilespmem:v13+s17+$0x0], $0xffff;
	v13 =	vor.u32 s25, v2  }
0x8f: {  	v15 =	vor.u32 s24, v3;
	v10 =	vld.idx.msk [tilespmem:v10+s15+$0x0], $0xffff  }
0x90: {  	v16 =	vor.u32 s25, v3;
	v12 =	vld.idx.msk [tilespmem:v12+s15+$0x0], $0xffff  }
0x91: {  	v17 =	vor.u32 s24, v4;
	v11 =	vld.idx.msk [tilespmem:v11+s17+$0x0], $0xffff  }
0x92: {  	v18 =	vor.u32 s25, v4;
	v14 =	vld.idx.msk [tilespmem:v14+s15+$0x0], $0xffff  }
0x93: {  	v19 =	vor.u32 s24, v5;
	v13 =	vld.idx.msk [tilespmem:v13+s17+$0x0], $0xffff  }
0x94: {  	v20 =	vor.u32 s25, v5;
	v15 =	vld.idx.msk [tilespmem:v15+s15+$0x0], $0xffff  }
0x95: {  	v21 =	vor.u32 s24, v6;
	v16 =	vld.idx.msk [tilespmem:v16+s17+$0x0], $0xffff  }
0x96: {  	v22 =	vor.u32 s25, v6;
	v17 =	vld.idx.msk [tilespmem:v17+s15+$0x0], $0xffff  }
0x97: {  	v9 =	vmul.f32 v9, v10;
	v10 =	vmul.f32 v11, v12;
	v12 =	vor.u32 s24, v7;
	v11 =	vld.idx.msk [tilespmem:v18+s17+$0x0], $0xffff  }
0x98: {  	v18 =	vld.idx.msk [tilespmem:v19+s15+$0x0], $0xffff;
	v19 =	vor.u32 s25, v7  }
0x99: {  	v9 =	vadd.f32 v10, v9;
	v10 =	vmul.f32 v13, v14;
	v13 =	vld.idx.msk [tilespmem:v20+s17+$0x0], $0xffff  }
0x9a: {  	v14 =	vld.idx.msk [tilespmem:v21+s15+$0x0], $0xffff  }
0x9b: {  	v10 =	vadd.f32 v10, v9;
	v15 =	vmul.f32 v16, v15;
	v16 =	vld.idx.msk [tilespmem:v22+s17+$0x0], $0xffff  }
0x9c: {  	v9 =	vld.idx.msk [tilespmem:v12+s15+$0x0], $0xffff  }
.Ltmp1:
0x9d: {  	v12 =	vadd.f32 v15, v10;
	v11 =	vmul.f32 v11, v17;
	v10 =	vld.idx.msk [tilespmem:v19+s17+$0x0], $0xffff;
	(pc) =	sbr.rel @p0 .LBB2_5-.Ltmp1, $4  }
0x9e: {  	_ = 	snop  }
0x9f: {  	s24 =	sadd.s32 s22, s20;
	v11 =	vadd.f32 v11, v12;
	v12 =	vmul.f32 v13, v18  }
0xa0: {  	s24 =	smulhi.u32 $0xCCCCCCCD, s24  }
0xa1: {  	s22 =	sadd.s32 $0x1, s22;
	v11 =	vadd.f32 v12, v11;
	v12 =	vmul.f32 v16, v14  }
0xa2: {  	s23 =	sshll.u32 s23, $0x7  }
0xa3: {  	s22 =	sshll.u32 s24, $0x3;
	v9 =	vmul.f32 v10, v9;
	v13 =	vor.u32 s23, v0;
	v11 =	vadd.f32 v12, v11  }
0xa4: {  	s22 =	sand.u32 $0xFFFFFF80, s22;
	v48 =	vor.u32 s23, v1  }
0xa5: {  	v46 =	vor.u32 s22, v0;
	v9 =	vadd.f32 v9, v11  }
0xa6: {  	v47 =	vor.u32 s22, v1  }
0xa7: {  	v49 =	vor.u32 s23, v2;
	[tilespmem:v8+s18+$0x0] =	vst.idx.msk $0xffff, v9  }
0xa8: {  	v14 =	vor.u32 s22, v2;
	v8 =	vld.idx.msk [tilespmem:v13+s17+$0x0], $0xffff  }
0xa9: {  	v16 =	vor.u32 s23, v3;
	v11 =	vld.idx.msk [tilespmem:v48+s17+$0x0], $0xffff  }
0xaa: {  	v15 =	vor.u32 s22, v3;
	v10 =	vld.idx.msk [tilespmem:v46+s15+$0x0], $0xffff  }
0xab: {  	v18 =	vor.u32 s23, v4;
	v12 =	vld.idx.msk [tilespmem:v47+s15+$0x0], $0xffff  }
0xac: {  	v17 =	vor.u32 s22, v4;
	v9 =	vld.idx.msk [tilespmem:v49+s17+$0x0], $0xffff  }
0xad: {  	v20 =	vor.u32 s23, v5;
	v14 =	vld.idx.msk [tilespmem:v14+s15+$0x0], $0xffff  }
0xae: {  	v19 =	vor.u32 s22, v5;
	v16 =	vld.idx.msk [tilespmem:v16+s17+$0x0], $0xffff  }
0xaf: {  	v22 =	vor.u32 s23, v6;
	v15 =	vld.idx.msk [tilespmem:v15+s15+$0x0], $0xffff  }
0xb0: {  	v21 =	vor.u32 s22, v6;
	v51 =	vld.idx.msk [tilespmem:v18+s17+$0x0], $0xffff;
	v8 =	vmul.f32 v8, v10;
	v50 =	vmul.f32 v11, v12  }
0xb1: {  	v54 =	vor.u32 s23, v7;
	v17 =	vld.idx.msk [tilespmem:v17+s15+$0x0], $0xffff  }
0xb2: {  	v52 =	vor.u32 s22, v7;
	v55 =	vld.idx.msk [tilespmem:v20+s17+$0x0], $0xffff;
	v9 =	vmul.f32 v9, v14;
	v8 =	vadd.f32 v50, v8  }
0xb3: {  	v53 =	vld.idx.msk [tilespmem:v19+s15+$0x0], $0xffff  }
0xb4: {  	v58 =	vld.idx.msk [tilespmem:v22+s17+$0x0], $0xffff;
	v57 =	vmul.f32 v16, v15;
	v8 =	vadd.f32 v9, v8  }
0xb5: {  	v56 =	vld.idx.msk [tilespmem:v21+s15+$0x0], $0xffff  }
0xb6: {  	v60 =	vld.idx.msk [tilespmem:v54+s17+$0x0], $0xffff;
	v59 =	vmul.f32 v51, v17;
	v8 =	vadd.f32 v57, v8  }
0xb7: {  	v12 =	vld.idx.msk [tilespmem:v52+s15+$0x0], $0xffff  }
0xb8: {  	v61 =	vmul.f32 v55, v53;
	v8 =	vadd.f32 v59, v8;
	_ =	sdelay $0x1  }
0xb9: {  	v62 =	vmul.f32 v58, v56;
	v8 =	vadd.f32 v61, v8;
	_ =	sdelay $0x1  }
0xba: {  	v63 =	vmul.f32 v60, v12;
	v8 =	vadd.f32 v62, v8  }
0xbb: {  	s31 =	sshll.u32 s21, $0xE  }
0xbc: {  	s21 =	sadd.s32 $0x1, s21;
	s22 =	sadd.s32 s10, s31;
	v8 =	vadd.f32 v63, v8  }
0xbd: {  	p0 =	sne.s32 s21, $0x14;
	s22 =	sshrl.u32 s22, $0x3  }
.Ltmp2:
0xbe: {  	s22 =	sadd.s32 s5, s22;
	[tilespmem:v13+s18+$0x0] =	vst.idx.msk $0xffff, v8;
	(pc) =	sbr.rel @p0 .LBB2_4-.Ltmp2, $4  }
0xbf: {  	[hbm4b:s22+s4] =	stream.linear.scatter [tilespmem:s18], [sflag:$0x2], $0x4000, $0x38;
	[tilespmem:$0xCD00] =	vst v63  }
0xc0: {  	_ =	swait.ge [sflag:s12], $0x4000  }
0xc1: {  	[sflag:s12] =	ssyncset.done $0x0  }
0xc2: {  	s20 =	sadd.s32 $0x80, s20;
	[sflag:s12] =	ssyncadd.s32 $0xFFFFC000  }
0xc3: {  	s19 =	sadd.s32 $0x1, s19  }
0xc4: {  	p0 =	sne.s32 s19, s11  }
.Ltmp3:
0xc5: {  	_ = 	snop;
	(pc) =	sbr.rel @p0 .LBB2_1-.Ltmp3, $1  }
0xc6: {  	_ =	sdelay $0x3  }
0xc7: {  	_ =	sfence.sel $0x180000  }
0xc8: {  	[bflag:$0x0] =	sbarrier.arrive $0xFFFF  }
0xc9: {  	p0 =	sne.s32 s0, $0x0;
	_ =	strace $0x90000047  }
0xca: {  	s0 =	sadd.s32 @!p0 $0x100000, s1;
	[bflag:$0x2] =	sbarrier.arrive $0xFFFF  }
0xcb: {  	[sflag:s0] =	ssyncadd.tile.s32 @!p0 $0x1;
	_ =	shalt  }
.Lfunc_end2:
_tile_overlayer_lowered:
.L_overlay_start_2:
0xcc: {  	(tag) =	ssettag $0x2  }
0xcd: {  	s0 =	rddreg [dreg:$0x0];
	s2 =	stileid.u32  }
0xce: {  	s1 =	rddreg [dreg:$0x1];
	p0 =	sne.s32 s2, $0x0  }
0xcf: {  	s3 =	rddreg [dreg:$0x2];
	[bflag:$0x3] =	sbarrier.arrive $0xFFFF;
	s2 =	simm.s32 @!p0 $0x1C02  }
0xd0: {  	[timem:s3], [sflag:s2] =	dma.local @!p0 [hbm:s0], s1  }
0xd1: {  	s0 =	simm.s32 @!p0 $0x2  }
0xd2: {  	_ =	swait.ge @!p0 [sflag:s0], s1  }
0xd3: {  	s1 =	ssub.s32 @!p0 $0x0, s1;
	[sflag:s0] =	ssyncset.done @!p0 $0x0  }
0xd4: {  	[sflag:s0] =	ssyncadd.s32 @!p0 s1  }
0xd5: {  	[bflag:$0x3] =	sbarrier.arrive $0xFFFF  }
0xd6: {  	_ =	shalt  }

</sc_bundles>
